<compile_context>
chip_gen: v7x
topology: tpu7x:2x2x1
jax: 0.10.2.dev20260603
libtpu: 0.0.44.dev20260713+nightly
codegen_flags: <defaults>
</compile_context>

<pallas_src>
import functools

import jax
import jax.numpy as jnp
from jax import lax
from jax.experimental import pallas as pl
from jax.experimental.pallas import tpu as pltpu
from jax.experimental.pallas import tpu_sc as plsc

NC = 2
NS = 16
L = 16
NW = NC * NS
CH = 128


def _build(B, M, D):
    assert B % (NW * CH) == 0
    bpw = B // NW
    nch = bpw // CH
    mesh = plsc.VectorSubcoreMesh(
        core_axis_name="c", subcore_axis_name="s", num_cores=NC, num_subcores=NS
    )

    @functools.partial(
        pl.kernel,
        out_type=(
            jax.ShapeDtypeStruct((B, D), jnp.float32),
            jax.ShapeDtypeStruct((B,), jnp.float32),
        ),
        mesh=mesh,
        compiler_params=pltpu.CompilerParams(needs_layout_passes=False),
        scratch_types=[
            pltpu.VMEM((nch, CH), jnp.int32),
            pltpu.VMEM((nch, CH, D), jnp.float32),
            pltpu.VMEM((nch, CH), jnp.float32),
            pltpu.VMEM((nch, CH), jnp.float32),
            pltpu.SemaphoreType.DMA((nch,)),
            pltpu.SemaphoreType.DMA,
            pltpu.SemaphoreType.DMA,
        ],
    )
    def k(idx_hbm, prev_hbm, msg_hbm, ts_hbm, msgs_out, ts_out,
          idx_v, rows_v, ts_v, pts_v, sem_msg, sem_ts, sem_out):
        wid = lax.axis_index("s") * NC + lax.axis_index("c")
        base = wid * bpw
        brow = wid * nch

        pltpu.sync_copy(idx_hbm.at[pl.ds(brow, nch)], idx_v)
        ts_cps = [
            pltpu.async_copy(ts_hbm.at[idx_v.at[j]], ts_v.at[j], sem_ts)
            for j in range(nch)
        ]
        msg_cps = [
            pltpu.async_copy(msg_hbm.at[idx_v.at[j]], rows_v.at[j], sem_msg.at[j])
            for j in range(nch)
        ]
        pltpu.sync_copy(prev_hbm.at[pl.ds(brow, nch)], pts_v)
        for cp in ts_cps:
            cp.wait()

        acc = jnp.zeros((L,), jnp.bool_)
        for j in range(nch):
            for i in range(CH // L):
                pv = pts_v[j, pl.ds(i * L, L)]
                tv = ts_v[j, pl.ds(i * L, L)]
                acc = acc | (pv > tv)
        flag = plsc.all_reduce_population_count(acc)[0] > 0

        @pl.when(flag)
        def _poison_ts():
            nan16 = jnp.full((L,), jnp.nan, jnp.float32)
            for j in range(nch):
                for i in range(CH // L):
                    ts_v[j, pl.ds(i * L, L)] = nan16

        out_cps = []
        for j in range(nch):
            msg_cps[j].wait()

            @pl.when(flag)
            def _poison_rows(j=j):
                nan16 = jnp.full((L,), jnp.nan, jnp.float32)

                def fill_row(r, _):
                    for i in range(D // L):
                        rows_v[j, r, pl.ds(i * L, L)] = nan16
                    return 0

                lax.fori_loop(0, CH, fill_row, 0)

            out_cps.append(pltpu.async_copy(
                rows_v.at[j], msgs_out.at[pl.ds(base + j * CH, CH)], sem_out))
            out_cps.append(pltpu.async_copy(
                ts_v.at[j], ts_out.at[pl.ds(base + j * CH, CH)], sem_out))
        for cp in out_cps:
            cp.wait()

    return k


def kernel(node_ids, prev_ts, msg_store, ts_store):
    B = node_ids.shape[0]
    M, D = msg_store.shape
    idx2d = node_ids.astype(jnp.int32).reshape(B // CH, CH)
    prev2d = prev_ts.reshape(B // CH, CH)
    k = _build(B, M, D)
    full_msgs, ts = k(idx2d, prev2d, msg_store, ts_store)
    return (full_msgs, ts)

# --- scband reference (transcript-rebuilt; emitter-appended) ---
"""Pipeline reference for scband-last-message-aggregator-no-grad-last-only-16999480558353 (READ-ONLY COPY).

The authoritative reference and input builder live on the scoring server;
editing this copy changes nothing except your own understanding.
"""

import jax, jax.numpy as jnp
import numpy as np


def setup_inputs(seed: int = 0) -> dict:
    key = jax.random.key(seed)
    k1, k2, k3 = jax.random.split(key, 3)
    B = 16384
    M = 100000
    D = 128
    node_ids = jax.random.randint(k1, (B,), 0, M, dtype=jnp.int64) if jax.config.jax_enable_x64 else jax.random.randint(k1, (B,), 0, M, dtype=jnp.int32)
    prev_ts = jnp.zeros((B,), dtype=jnp.float32)
    msg_store = jax.random.normal(k2, (M, D), dtype=jnp.float32)
    ts_store = jax.random.uniform(k3, (M,), dtype=jnp.float32)
    return {"node_ids": node_ids, "prev_ts": prev_ts, "msg_store": msg_store, "ts_store": ts_store}


def reference(node_ids, prev_ts, msg_store, ts_store):
    # node_msg = (msg_store, ts_store); forward gathers last message + timestamp per node
    full_msgs = jnp.take(msg_store, node_ids, axis=0)
    ts = jnp.take(ts_store, node_ids, axis=0)
    # validity check from the torch module (prev_ts must not exceed message ts)
    invalid = jnp.any(prev_ts > ts)
    full_msgs = jnp.where(invalid, jnp.float32(jnp.nan), full_msgs)
    ts = jnp.where(invalid, jnp.float32(jnp.nan), ts)
    return (full_msgs, ts)

if __name__ == "__main__":
    import jax
    _d = setup_inputs()
    print(jax.jit(kernel)(*tuple(_d.values())))

</pallas_src>

<mosaic_0001>
#map = affine_map<(d0, d1) -> (0, 0)>
#map1 = affine_map<(d0, d1) -> (0)>
module attributes {stable_mosaic.version = 14 : i64} {
  func.func @k(%arg0: i32, %arg1: i32, %arg2: memref<128x128xi32, #tpu.memory_space<hbm>>, %arg3: memref<128x128xf32, #tpu.memory_space<hbm>>, %arg4: memref<100000x128xf32, #tpu.memory_space<hbm>>, %arg5: memref<100000xf32, #tpu.memory_space<hbm>>, %arg6: memref<16384x128xf32, #tpu.memory_space<hbm>>, %arg7: memref<16384xf32, #tpu.memory_space<hbm>>, %arg8: memref<4x128xi32, #tpu.memory_space<vmem>>, %arg9: memref<4x128x128xf32, #tpu.memory_space<vmem>>, %arg10: memref<4x128xf32, #tpu.memory_space<vmem>>, %arg11: memref<4x128xf32, #tpu.memory_space<vmem>>, %arg12: memref<4x!tpu.dma_semaphore, #tpu.memory_space<semaphore_mem>>, %arg13: memref<!tpu.dma_semaphore, #tpu.memory_space<semaphore_mem>>, %arg14: memref<!tpu.dma_semaphore, #tpu.memory_space<semaphore_mem>>) attributes {dimension_semantics = [#tpu.dimension_semantics<core_parallel>, #tpu.dimension_semantics<subcore_parallel>], iteration_bounds = array<i64: 2, 16>, scalar_prefetch = 0 : i64, scratch_operands = 7 : i64, tpu.core_type = #tpu.core_type<sc_vector_subcore>, window_params = [{transform_indices = #map}, {transform_indices = #map}, {transform_indices = #map}, {transform_indices = #map1}, {transform_indices = #map}, {transform_indices = #map1}]} {
    %mul3A = arith.constant 2 : i32
    %mul3A_0 = arith.muli %arg1, %mul3A : i32
    %add3A = arith.addi %mul3A_0, %arg0 : i32
    %mul3A_1 = arith.constant 512 : i32
    %mul3A_2 = arith.muli %add3A, %mul3A_1 : i32
    %mul3A_3 = arith.constant 4 : i32
    %mul3A_4 = arith.muli %add3A, %mul3A_3 : i32
    "tpu.region"() ({
      %run_scoped3A = tpu.sem_alloc : memref<!tpu.dma_semaphore, #tpu.memory_space<semaphore_mem>>
      %dma_start3A_728 = arith.constant 0 : i32
      %dma_start3A_729 = tpu.memref_slice %arg2[%mul3A_4, %dma_start3A_728] : memref<128x128xi32, #tpu.memory_space<hbm>> -> memref<4x128xi32, #tpu.memory_space<hbm>>
      %dma_start3A_730 = arith.constant 0 : i32
      %dma_start3A_731 = tpu.memref_slice %arg2[%mul3A_4, %dma_start3A_730] : memref<128x128xi32, #tpu.memory_space<hbm>> -> memref<4x128xi32, #tpu.memory_space<hbm>>
      tpu.enqueue_dma source(%dma_start3A_731 : memref<4x128xi32, #tpu.memory_space<hbm>>) target(%arg8 : memref<4x128xi32, #tpu.memory_space<vmem>>) target_semaphore(%run_scoped3A : memref<!tpu.dma_semaphore, #tpu.memory_space<semaphore_mem>>)
      %dma_wait3A_732 = arith.constant 0 : i32
      %dma_wait3A_733 = tpu.memref_slice %arg2[%mul3A_4, %dma_wait3A_732] : memref<128x128xi32, #tpu.memory_space<hbm>> -> memref<4x128xi32, #tpu.memory_space<hbm>>
      %dma_wait3A_734 = arith.constant 0 : i32
      %dma_wait3A_735 = tpu.memref_slice %arg2[%mul3A_4, %dma_wait3A_734] : memref<128x128xi32, #tpu.memory_space<hbm>> -> memref<4x128xi32, #tpu.memory_space<hbm>>
      tpu.wait_dma2 semaphore(%run_scoped3A : memref<!tpu.dma_semaphore, #tpu.memory_space<semaphore_mem>>) src(%dma_wait3A_735 : memref<4x128xi32, #tpu.memory_space<hbm>>) dst(%arg8 : memref<4x128xi32, #tpu.memory_space<vmem>>)
      tpu.yield
    }) : () -> ()
    %dma_start3A = arith.constant 0 : i32
    %dma_start3A_5 = arith.constant 0 : i32
    %dma_start3A_6 = arith.constant 0 : i32
    %dma_start3A_7 = tpu.memref_slice %arg10[%dma_start3A_5, %dma_start3A_6] : memref<4x128xf32, #tpu.memory_space<vmem>> -> memref<1x128xf32, #tpu.memory_space<vmem>>
    %dma_start3A_8 = tpu.memref_squeeze %dma_start3A_7 : memref<1x128xf32, #tpu.memory_space<vmem>> -> memref<128xf32, #tpu.memory_space<vmem>>
    %dma_start3A_9 = arith.constant 0 : i32
    %dma_start3A_10 = tpu.memref_slice %arg8[%dma_start3A, %dma_start3A_9] : memref<4x128xi32, #tpu.memory_space<vmem>> -> memref<1x128xi32, #tpu.memory_space<vmem>>
    %dma_start3A_11 = tpu.memref_squeeze %dma_start3A_10 : memref<1x128xi32, #tpu.memory_space<vmem>> -> memref<128xi32, #tpu.memory_space<vmem>>
    %dma_start3A_12 = arith.constant 0 : i32
    %dma_start3A_13 = tpu.memref_slice %arg5[%dma_start3A_12] : memref<100000xf32, #tpu.memory_space<hbm>> -> memref<100000xf32, #tpu.memory_space<hbm>>
    tpu.enqueue_indirect_dma source(%dma_start3A_13 : memref<100000xf32, #tpu.memory_space<hbm>>) target(%dma_start3A_8 : memref<128xf32, #tpu.memory_space<vmem>>) offsets(%dma_start3A_11 : memref<128xi32, #tpu.memory_space<vmem>>) semaphore(%arg13 : memref<!tpu.dma_semaphore, #tpu.memory_space<semaphore_mem>>)
    %dma_start3A_14 = arith.constant 1 : i32
    %dma_start3A_15 = arith.constant 1 : i32
    %dma_start3A_16 = arith.constant 0 : i32
    %dma_start3A_17 = tpu.memref_slice %arg10[%dma_start3A_15, %dma_start3A_16] : memref<4x128xf32, #tpu.memory_space<vmem>> -> memref<1x128xf32, #tpu.memory_space<vmem>>
    %dma_start3A_18 = tpu.memref_squeeze %dma_start3A_17 : memref<1x128xf32, #tpu.memory_space<vmem>> -> memref<128xf32, #tpu.memory_space<vmem>>
    %dma_start3A_19 = arith.constant 0 : i32
    %dma_start3A_20 = tpu.memref_slice %arg8[%dma_start3A_14, %dma_start3A_19] : memref<4x128xi32, #tpu.memory_space<vmem>> -> memref<1x128xi32, #tpu.memory_space<vmem>>
    %dma_start3A_21 = tpu.memref_squeeze %dma_start3A_20 : memref<1x128xi32, #tpu.memory_space<vmem>> -> memref<128xi32, #tpu.memory_space<vmem>>
    %dma_start3A_22 = arith.constant 0 : i32
    %dma_start3A_23 = tpu.memref_slice %arg5[%dma_start3A_22] : memref<100000xf32, #tpu.memory_space<hbm>> -> memref<100000xf32, #tpu.memory_space<hbm>>
    tpu.enqueue_indirect_dma source(%dma_start3A_23 : memref<100000xf32, #tpu.memory_space<hbm>>) target(%dma_start3A_18 : memref<128xf32, #tpu.memory_space<vmem>>) offsets(%dma_start3A_21 : memref<128xi32, #tpu.memory_space<vmem>>) semaphore(%arg13 : memref<!tpu.dma_semaphore, #tpu.memory_space<semaphore_mem>>)
    %dma_start3A_24 = arith.constant 2 : i32
    %dma_start3A_25 = arith.constant 2 : i32
    %dma_start3A_26 = arith.constant 0 : i32
    %dma_start3A_27 = tpu.memref_slice %arg10[%dma_start3A_25, %dma_start3A_26] : memref<4x128xf32, #tpu.memory_space<vmem>> -> memref<1x128xf32, #tpu.memory_space<vmem>>
    %dma_start3A_28 = tpu.memref_squeeze %dma_start3A_27 : memref<1x128xf32, #tpu.memory_space<vmem>> -> memref<128xf32, #tpu.memory_space<vmem>>
    %dma_start3A_29 = arith.constant 0 : i32
    %dma_start3A_30 = tpu.memref_slice %arg8[%dma_start3A_24, %dma_start3A_29] : memref<4x128xi32, #tpu.memory_space<vmem>> -> memref<1x128xi32, #tpu.memory_space<vmem>>
    %dma_start3A_31 = tpu.memref_squeeze %dma_start3A_30 : memref<1x128xi32, #tpu.memory_space<vmem>> -> memref<128xi32, #tpu.memory_space<vmem>>
    %dma_start3A_32 = arith.constant 0 : i32
    %dma_start3A_33 = tpu.memref_slice %arg5[%dma_start3A_32] : memref<100000xf32, #tpu.memory_space<hbm>> -> memref<100000xf32, #tpu.memory_space<hbm>>
    tpu.enqueue_indirect_dma source(%dma_start3A_33 : memref<100000xf32, #tpu.memory_space<hbm>>) target(%dma_start3A_28 : memref<128xf32, #tpu.memory_space<vmem>>) offsets(%dma_start3A_31 : memref<128xi32, #tpu.memory_space<vmem>>) semaphore(%arg13 : memref<!tpu.dma_semaphore, #tpu.memory_space<semaphore_mem>>)
    %dma_start3A_34 = arith.constant 3 : i32
    %dma_start3A_35 = arith.constant 3 : i32
    %dma_start3A_36 = arith.constant 0 : i32
    %dma_start3A_37 = tpu.memref_slice %arg10[%dma_start3A_35, %dma_start3A_36] : memref<4x128xf32, #tpu.memory_space<vmem>> -> memref<1x128xf32, #tpu.memory_space<vmem>>
    %dma_start3A_38 = tpu.memref_squeeze %dma_start3A_37 : memref<1x128xf32, #tpu.memory_space<vmem>> -> memref<128xf32, #tpu.memory_space<vmem>>
    %dma_start3A_39 = arith.constant 0 : i32
    %dma_start3A_40 = tpu.memref_slice %arg8[%dma_start3A_34, %dma_start3A_39] : memref<4x128xi32, #tpu.memory_space<vmem>> -> memref<1x128xi32, #tpu.memory_space<vmem>>
    %dma_start3A_41 = tpu.memref_squeeze %dma_start3A_40 : memref<1x128xi32, #tpu.memory_space<vmem>> -> memref<128xi32, #tpu.memory_space<vmem>>
    %dma_start3A_42 = arith.constant 0 : i32
    %dma_start3A_43 = tpu.memref_slice %arg5[%dma_start3A_42] : memref<100000xf32, #tpu.memory_space<hbm>> -> memref<100000xf32, #tpu.memory_space<hbm>>
    tpu.enqueue_indirect_dma source(%dma_start3A_43 : memref<100000xf32, #tpu.memory_space<hbm>>) target(%dma_start3A_38 : memref<128xf32, #tpu.memory_space<vmem>>) offsets(%dma_start3A_41 : memref<128xi32, #tpu.memory_space<vmem>>) semaphore(%arg13 : memref<!tpu.dma_semaphore, #tpu.memory_space<semaphore_mem>>)
    %dma_start3A_44 = arith.constant 0 : i32
    %dma_start3A_45 = arith.constant 0 : i32
    %dma_start3A_46 = arith.constant 0 : i32
    %dma_start3A_47 = arith.constant 0 : i32
    %dma_start3A_48 = arith.constant 0 : i32
    %dma_start3A_49 = tpu.memref_slice %arg9[%dma_start3A_45, %dma_start3A_47, %dma_start3A_48] : memref<4x128x128xf32, #tpu.memory_space<vmem>> -> memref<1x128x128xf32, #tpu.memory_space<vmem>>
    %dma_start3A_50 = tpu.memref_squeeze %dma_start3A_49 : memref<1x128x128xf32, #tpu.memory_space<vmem>> -> memref<128x128xf32, #tpu.memory_space<vmem>>
    %dma_start3A_51 = arith.constant 0 : i32
    %dma_start3A_52 = tpu.memref_slice %arg8[%dma_start3A_44, %dma_start3A_51] : memref<4x128xi32, #tpu.memory_space<vmem>> -> memref<1x128xi32, #tpu.memory_space<vmem>>
    %dma_start3A_53 = tpu.memref_squeeze %dma_start3A_52 : memref<1x128xi32, #tpu.memory_space<vmem>> -> memref<128xi32, #tpu.memory_space<vmem>>
    %dma_start3A_54 = arith.constant 0 : i32
    %dma_start3A_55 = arith.constant 0 : i32
    %dma_start3A_56 = tpu.memref_slice %arg4[%dma_start3A_54, %dma_start3A_55] : memref<100000x128xf32, #tpu.memory_space<hbm>> -> memref<100000x128xf32, #tpu.memory_space<hbm>>
    %dma_start3A_57 = tpu.memref_slice %arg12[%dma_start3A_46] : memref<4x!tpu.dma_semaphore, #tpu.memory_space<semaphore_mem>> -> memref<1x!tpu.dma_semaphore, #tpu.memory_space<semaphore_mem>>
    %dma_start3A_58 = tpu.memref_squeeze %dma_start3A_57 : memref<1x!tpu.dma_semaphore, #tpu.memory_space<semaphore_mem>> -> memref<!tpu.dma_semaphore, #tpu.memory_space<semaphore_mem>>
    tpu.enqueue_indirect_dma source(%dma_start3A_56 : memref<100000x128xf32, #tpu.memory_space<hbm>>) target(%dma_start3A_50 : memref<128x128xf32, #tpu.memory_space<vmem>>) offsets(%dma_start3A_53 : memref<128xi32, #tpu.memory_space<vmem>>) semaphore(%dma_start3A_58 : memref<!tpu.dma_semaphore, #tpu.memory_space<semaphore_mem>>)
    %dma_start3A_59 = arith.constant 1 : i32
    %dma_start3A_60 = arith.constant 1 : i32
    %dma_start3A_61 = arith.constant 1 : i32
    %dma_start3A_62 = arith.constant 0 : i32
    %dma_start3A_63 = arith.constant 0 : i32
    %dma_start3A_64 = tpu.memref_slice %arg9[%dma_start3A_60, %dma_start3A_62, %dma_start3A_63] : memref<4x128x128xf32, #tpu.memory_space<vmem>> -> memref<1x128x128xf32, #tpu.memory_space<vmem>>
    %dma_start3A_65 = tpu.memref_squeeze %dma_start3A_64 : memref<1x128x128xf32, #tpu.memory_space<vmem>> -> memref<128x128xf32, #tpu.memory_space<vmem>>
    %dma_start3A_66 = arith.constant 0 : i32
    %dma_start3A_67 = tpu.memref_slice %arg8[%dma_start3A_59, %dma_start3A_66] : memref<4x128xi32, #tpu.memory_space<vmem>> -> memref<1x128xi32, #tpu.memory_space<vmem>>
    %dma_start3A_68 = tpu.memref_squeeze %dma_start3A_67 : memref<1x128xi32, #tpu.memory_space<vmem>> -> memref<128xi32, #tpu.memory_space<vmem>>
    %dma_start3A_69 = arith.constant 0 : i32
    %dma_start3A_70 = arith.constant 0 : i32
    %dma_start3A_71 = tpu.memref_slice %arg4[%dma_start3A_69, %dma_start3A_70] : memref<100000x128xf32, #tpu.memory_space<hbm>> -> memref<100000x128xf32, #tpu.memory_space<hbm>>
    %dma_start3A_72 = tpu.memref_slice %arg12[%dma_start3A_61] : memref<4x!tpu.dma_semaphore, #tpu.memory_space<semaphore_mem>> -> memref<1x!tpu.dma_semaphore, #tpu.memory_space<semaphore_mem>>
    %dma_start3A_73 = tpu.memref_squeeze %dma_start3A_72 : memref<1x!tpu.dma_semaphore, #tpu.memory_space<semaphore_mem>> -> memref<!tpu.dma_semaphore, #tpu.memory_space<semaphore_mem>>
    tpu.enqueue_indirect_dma source(%dma_start3A_71 : memref<100000x128xf32, #tpu.memory_space<hbm>>) target(%dma_start3A_65 : memref<128x128xf32, #tpu.memory_space<vmem>>) offsets(%dma_start3A_68 : memref<128xi32, #tpu.memory_space<vmem>>) semaphore(%dma_start3A_73 : memref<!tpu.dma_semaphore, #tpu.memory_space<semaphore_mem>>)
    %dma_start3A_74 = arith.constant 2 : i32
    %dma_start3A_75 = arith.constant 2 : i32
    %dma_start3A_76 = arith.constant 2 : i32
    %dma_start3A_77 = arith.constant 0 : i32
    %dma_start3A_78 = arith.constant 0 : i32
    %dma_start3A_79 = tpu.memref_slice %arg9[%dma_start3A_75, %dma_start3A_77, %dma_start3A_78] : memref<4x128x128xf32, #tpu.memory_space<vmem>> -> memref<1x128x128xf32, #tpu.memory_space<vmem>>
    %dma_start3A_80 = tpu.memref_squeeze %dma_start3A_79 : memref<1x128x128xf32, #tpu.memory_space<vmem>> -> memref<128x128xf32, #tpu.memory_space<vmem>>
    %dma_start3A_81 = arith.constant 0 : i32
    %dma_start3A_82 = tpu.memref_slice %arg8[%dma_start3A_74, %dma_start3A_81] : memref<4x128xi32, #tpu.memory_space<vmem>> -> memref<1x128xi32, #tpu.memory_space<vmem>>
    %dma_start3A_83 = tpu.memref_squeeze %dma_start3A_82 : memref<1x128xi32, #tpu.memory_space<vmem>> -> memref<128xi32, #tpu.memory_space<vmem>>
    %dma_start3A_84 = arith.constant 0 : i32
    %dma_start3A_85 = arith.constant 0 : i32
    %dma_start3A_86 = tpu.memref_slice %arg4[%dma_start3A_84, %dma_start3A_85] : memref<100000x128xf32, #tpu.memory_space<hbm>> -> memref<100000x128xf32, #tpu.memory_space<hbm>>
    %dma_start3A_87 = tpu.memref_slice %arg12[%dma_start3A_76] : memref<4x!tpu.dma_semaphore, #tpu.memory_space<semaphore_mem>> -> memref<1x!tpu.dma_semaphore, #tpu.memory_space<semaphore_mem>>
    %dma_start3A_88 = tpu.memref_squeeze %dma_start3A_87 : memref<1x!tpu.dma_semaphore, #tpu.memory_space<semaphore_mem>> -> memref<!tpu.dma_semaphore, #tpu.memory_space<semaphore_mem>>
    tpu.enqueue_indirect_dma source(%dma_start3A_86 : memref<100000x128xf32, #tpu.memory_space<hbm>>) target(%dma_start3A_80 : memref<128x128xf32, #tpu.memory_space<vmem>>) offsets(%dma_start3A_83 : memref<128xi32, #tpu.memory_space<vmem>>) semaphore(%dma_start3A_88 : memref<!tpu.dma_semaphore, #tpu.memory_space<semaphore_mem>>)
    %dma_start3A_89 = arith.constant 3 : i32
    %dma_start3A_90 = arith.constant 3 : i32
    %dma_start3A_91 = arith.constant 3 : i32
    %dma_start3A_92 = arith.constant 0 : i32
    %dma_start3A_93 = arith.constant 0 : i32
    %dma_start3A_94 = tpu.memref_slice %arg9[%dma_start3A_90, %dma_start3A_92, %dma_start3A_93] : memref<4x128x128xf32, #tpu.memory_space<vmem>> -> memref<1x128x128xf32, #tpu.memory_space<vmem>>
    %dma_start3A_95 = tpu.memref_squeeze %dma_start3A_94 : memref<1x128x128xf32, #tpu.memory_space<vmem>> -> memref<128x128xf32, #tpu.memory_space<vmem>>
    %dma_start3A_96 = arith.constant 0 : i32
    %dma_start3A_97 = tpu.memref_slice %arg8[%dma_start3A_89, %dma_start3A_96] : memref<4x128xi32, #tpu.memory_space<vmem>> -> memref<1x128xi32, #tpu.memory_space<vmem>>
    %dma_start3A_98 = tpu.memref_squeeze %dma_start3A_97 : memref<1x128xi32, #tpu.memory_space<vmem>> -> memref<128xi32, #tpu.memory_space<vmem>>
    %dma_start3A_99 = arith.constant 0 : i32
    %dma_start3A_100 = arith.constant 0 : i32
    %dma_start3A_101 = tpu.memref_slice %arg4[%dma_start3A_99, %dma_start3A_100] : memref<100000x128xf32, #tpu.memory_space<hbm>> -> memref<100000x128xf32, #tpu.memory_space<hbm>>
    %dma_start3A_102 = tpu.memref_slice %arg12[%dma_start3A_91] : memref<4x!tpu.dma_semaphore, #tpu.memory_space<semaphore_mem>> -> memref<1x!tpu.dma_semaphore, #tpu.memory_space<semaphore_mem>>
    %dma_start3A_103 = tpu.memref_squeeze %dma_start3A_102 : memref<1x!tpu.dma_semaphore, #tpu.memory_space<semaphore_mem>> -> memref<!tpu.dma_semaphore, #tpu.memory_space<semaphore_mem>>
    tpu.enqueue_indirect_dma source(%dma_start3A_101 : memref<100000x128xf32, #tpu.memory_space<hbm>>) target(%dma_start3A_95 : memref<128x128xf32, #tpu.memory_space<vmem>>) offsets(%dma_start3A_98 : memref<128xi32, #tpu.memory_space<vmem>>) semaphore(%dma_start3A_103 : memref<!tpu.dma_semaphore, #tpu.memory_space<semaphore_mem>>)
    "tpu.region"() ({
      %run_scoped3A = tpu.sem_alloc : memref<!tpu.dma_semaphore, #tpu.memory_space<semaphore_mem>>
      %dma_start3A_728 = arith.constant 0 : i32
      %dma_start3A_729 = tpu.memref_slice %arg3[%mul3A_4, %dma_start3A_728] : memref<128x128xf32, #tpu.memory_space<hbm>> -> memref<4x128xf32, #tpu.memory_space<hbm>>
      %dma_start3A_730 = arith.constant 0 : i32
      %dma_start3A_731 = tpu.memref_slice %arg3[%mul3A_4, %dma_start3A_730] : memref<128x128xf32, #tpu.memory_space<hbm>> -> memref<4x128xf32, #tpu.memory_space<hbm>>
      tpu.enqueue_dma source(%dma_start3A_731 : memref<4x128xf32, #tpu.memory_space<hbm>>) target(%arg11 : memref<4x128xf32, #tpu.memory_space<vmem>>) target_semaphore(%run_scoped3A : memref<!tpu.dma_semaphore, #tpu.memory_space<semaphore_mem>>)
      %dma_wait3A_732 = arith.constant 0 : i32
      %dma_wait3A_733 = tpu.memref_slice %arg3[%mul3A_4, %dma_wait3A_732] : memref<128x128xf32, #tpu.memory_space<hbm>> -> memref<4x128xf32, #tpu.memory_space<hbm>>
      %dma_wait3A_734 = arith.constant 0 : i32
      %dma_wait3A_735 = tpu.memref_slice %arg3[%mul3A_4, %dma_wait3A_734] : memref<128x128xf32, #tpu.memory_space<hbm>> -> memref<4x128xf32, #tpu.memory_space<hbm>>
      tpu.wait_dma2 semaphore(%run_scoped3A : memref<!tpu.dma_semaphore, #tpu.memory_space<semaphore_mem>>) src(%dma_wait3A_735 : memref<4x128xf32, #tpu.memory_space<hbm>>) dst(%arg11 : memref<4x128xf32, #tpu.memory_space<vmem>>)
      tpu.yield
    }) : () -> ()
    %dma_wait3A = arith.constant 0 : i32
    %dma_wait3A_104 = arith.constant 0 : i32
    %dma_wait3A_105 = arith.constant 0 : i32
    %dma_wait3A_106 = tpu.memref_slice %arg10[%dma_wait3A_104, %dma_wait3A_105] : memref<4x128xf32, #tpu.memory_space<vmem>> -> memref<1x128xf32, #tpu.memory_space<vmem>>
    %dma_wait3A_107 = tpu.memref_squeeze %dma_wait3A_106 : memref<1x128xf32, #tpu.memory_space<vmem>> -> memref<128xf32, #tpu.memory_space<vmem>>
    %dma_wait3A_108 = arith.constant 0 : i32
    %dma_wait3A_109 = tpu.memref_slice %arg8[%dma_wait3A, %dma_wait3A_108] : memref<4x128xi32, #tpu.memory_space<vmem>> -> memref<1x128xi32, #tpu.memory_space<vmem>>
    %dma_wait3A_110 = tpu.memref_squeeze %dma_wait3A_109 : memref<1x128xi32, #tpu.memory_space<vmem>> -> memref<128xi32, #tpu.memory_space<vmem>>
    %dma_wait3A_111 = arith.constant 0 : i32
    %dma_wait3A_112 = tpu.memref_slice %arg5[%dma_wait3A_111] : memref<100000xf32, #tpu.memory_space<hbm>> -> memref<100000xf32, #tpu.memory_space<hbm>>
    tpu.wait_indirect_dma semaphore(%arg13 : memref<!tpu.dma_semaphore, #tpu.memory_space<semaphore_mem>>) src(%dma_wait3A_112 : memref<100000xf32, #tpu.memory_space<hbm>>) dst(%dma_wait3A_107 : memref<128xf32, #tpu.memory_space<vmem>>)
    %dma_wait3A_113 = arith.constant 1 : i32
    %dma_wait3A_114 = arith.constant 1 : i32
    %dma_wait3A_115 = arith.constant 0 : i32
    %dma_wait3A_116 = tpu.memref_slice %arg10[%dma_wait3A_114, %dma_wait3A_115] : memref<4x128xf32, #tpu.memory_space<vmem>> -> memref<1x128xf32, #tpu.memory_space<vmem>>
    %dma_wait3A_117 = tpu.memref_squeeze %dma_wait3A_116 : memref<1x128xf32, #tpu.memory_space<vmem>> -> memref<128xf32, #tpu.memory_space<vmem>>
    %dma_wait3A_118 = arith.constant 0 : i32
    %dma_wait3A_119 = tpu.memref_slice %arg8[%dma_wait3A_113, %dma_wait3A_118] : memref<4x128xi32, #tpu.memory_space<vmem>> -> memref<1x128xi32, #tpu.memory_space<vmem>>
    %dma_wait3A_120 = tpu.memref_squeeze %dma_wait3A_119 : memref<1x128xi32, #tpu.memory_space<vmem>> -> memref<128xi32, #tpu.memory_space<vmem>>
    %dma_wait3A_121 = arith.constant 0 : i32
    %dma_wait3A_122 = tpu.memref_slice %arg5[%dma_wait3A_121] : memref<100000xf32, #tpu.memory_space<hbm>> -> memref<100000xf32, #tpu.memory_space<hbm>>
    tpu.wait_indirect_dma semaphore(%arg13 : memref<!tpu.dma_semaphore, #tpu.memory_space<semaphore_mem>>) src(%dma_wait3A_122 : memref<100000xf32, #tpu.memory_space<hbm>>) dst(%dma_wait3A_117 : memref<128xf32, #tpu.memory_space<vmem>>)
    %dma_wait3A_123 = arith.constant 2 : i32
    %dma_wait3A_124 = arith.constant 2 : i32
    %dma_wait3A_125 = arith.constant 0 : i32
    %dma_wait3A_126 = tpu.memref_slice %arg10[%dma_wait3A_124, %dma_wait3A_125] : memref<4x128xf32, #tpu.memory_space<vmem>> -> memref<1x128xf32, #tpu.memory_space<vmem>>
    %dma_wait3A_127 = tpu.memref_squeeze %dma_wait3A_126 : memref<1x128xf32, #tpu.memory_space<vmem>> -> memref<128xf32, #tpu.memory_space<vmem>>
    %dma_wait3A_128 = arith.constant 0 : i32
    %dma_wait3A_129 = tpu.memref_slice %arg8[%dma_wait3A_123, %dma_wait3A_128] : memref<4x128xi32, #tpu.memory_space<vmem>> -> memref<1x128xi32, #tpu.memory_space<vmem>>
    %dma_wait3A_130 = tpu.memref_squeeze %dma_wait3A_129 : memref<1x128xi32, #tpu.memory_space<vmem>> -> memref<128xi32, #tpu.memory_space<vmem>>
    %dma_wait3A_131 = arith.constant 0 : i32
    %dma_wait3A_132 = tpu.memref_slice %arg5[%dma_wait3A_131] : memref<100000xf32, #tpu.memory_space<hbm>> -> memref<100000xf32, #tpu.memory_space<hbm>>
    tpu.wait_indirect_dma semaphore(%arg13 : memref<!tpu.dma_semaphore, #tpu.memory_space<semaphore_mem>>) src(%dma_wait3A_132 : memref<100000xf32, #tpu.memory_space<hbm>>) dst(%dma_wait3A_127 : memref<128xf32, #tpu.memory_space<vmem>>)
    %dma_wait3A_133 = arith.constant 3 : i32
    %dma_wait3A_134 = arith.constant 3 : i32
    %dma_wait3A_135 = arith.constant 0 : i32
    %dma_wait3A_136 = tpu.memref_slice %arg10[%dma_wait3A_134, %dma_wait3A_135] : memref<4x128xf32, #tpu.memory_space<vmem>> -> memref<1x128xf32, #tpu.memory_space<vmem>>
    %dma_wait3A_137 = tpu.memref_squeeze %dma_wait3A_136 : memref<1x128xf32, #tpu.memory_space<vmem>> -> memref<128xf32, #tpu.memory_space<vmem>>
    %dma_wait3A_138 = arith.constant 0 : i32
    %dma_wait3A_139 = tpu.memref_slice %arg8[%dma_wait3A_133, %dma_wait3A_138] : memref<4x128xi32, #tpu.memory_space<vmem>> -> memref<1x128xi32, #tpu.memory_space<vmem>>
    %dma_wait3A_140 = tpu.memref_squeeze %dma_wait3A_139 : memref<1x128xi32, #tpu.memory_space<vmem>> -> memref<128xi32, #tpu.memory_space<vmem>>
    %dma_wait3A_141 = arith.constant 0 : i32
    %dma_wait3A_142 = tpu.memref_slice %arg5[%dma_wait3A_141] : memref<100000xf32, #tpu.memory_space<hbm>> -> memref<100000xf32, #tpu.memory_space<hbm>>
    tpu.wait_indirect_dma semaphore(%arg13 : memref<!tpu.dma_semaphore, #tpu.memory_space<semaphore_mem>>) src(%dma_wait3A_142 : memref<100000xf32, #tpu.memory_space<hbm>>) dst(%dma_wait3A_137 : memref<128xf32, #tpu.memory_space<vmem>>)
    %broadcast_in_dim3A = arith.constant false
    %broadcast_in_dim3A_143 = vector.broadcast %broadcast_in_dim3A : i1 to vector<16xi1>
    %get3A = arith.constant 0 : i32
    %get3A_144 = arith.index_cast %get3A : i32 to index
    %get3A_145 = arith.constant 0 : index
    %get3A_146 = tpu.vector_load %arg11[%get3A_144, %get3A_145] {strides = array<i32>} : memref<4x128xf32, #tpu.memory_space<vmem>>, vector<16xf32>,
    %get3A_147 = arith.constant 0 : i32
    %get3A_148 = arith.index_cast %get3A_147 : i32 to index
    %get3A_149 = arith.constant 0 : index
    %get3A_150 = tpu.vector_load %arg10[%get3A_148, %get3A_149] {strides = array<i32>} : memref<4x128xf32, #tpu.memory_space<vmem>>, vector<16xf32>,
    %gt3A = arith.cmpf ogt, %get3A_146, %get3A_150 : vector<16xf32>
    %or3A = arith.ori %broadcast_in_dim3A_143, %gt3A : vector<16xi1>
    %get3A_151 = arith.constant 0 : i32
    %get3A_152 = arith.index_cast %get3A_151 : i32 to index
    %get3A_153 = arith.constant 16 : index
    %get3A_154 = tpu.vector_load %arg11[%get3A_152, %get3A_153] {strides = array<i32>} : memref<4x128xf32, #tpu.memory_space<vmem>>, vector<16xf32>,
    %get3A_155 = arith.constant 0 : i32
    %get3A_156 = arith.index_cast %get3A_155 : i32 to index
    %get3A_157 = arith.constant 16 : index
    %get3A_158 = tpu.vector_load %arg10[%get3A_156, %get3A_157] {strides = array<i32>} : memref<4x128xf32, #tpu.memory_space<vmem>>, vector<16xf32>,
    %gt3A_159 = arith.cmpf ogt, %get3A_154, %get3A_158 : vector<16xf32>
    %or3A_160 = arith.ori %or3A, %gt3A_159 : vector<16xi1>
    %get3A_161 = arith.constant 0 : i32
    %get3A_162 = arith.index_cast %get3A_161 : i32 to index
    %get3A_163 = arith.constant 32 : index
    %get3A_164 = tpu.vector_load %arg11[%get3A_162, %get3A_163] {strides = array<i32>} : memref<4x128xf32, #tpu.memory_space<vmem>>, vector<16xf32>,
    %get3A_165 = arith.constant 0 : i32
    %get3A_166 = arith.index_cast %get3A_165 : i32 to index
    %get3A_167 = arith.constant 32 : index
    %get3A_168 = tpu.vector_load %arg10[%get3A_166, %get3A_167] {strides = array<i32>} : memref<4x128xf32, #tpu.memory_space<vmem>>, vector<16xf32>,
    %gt3A_169 = arith.cmpf ogt, %get3A_164, %get3A_168 : vector<16xf32>
    %or3A_170 = arith.ori %or3A_160, %gt3A_169 : vector<16xi1>
    %get3A_171 = arith.constant 0 : i32
    %get3A_172 = arith.index_cast %get3A_171 : i32 to index
    %get3A_173 = arith.constant 48 : index
    %get3A_174 = tpu.vector_load %arg11[%get3A_172, %get3A_173] {strides = array<i32>} : memref<4x128xf32, #tpu.memory_space<vmem>>, vector<16xf32>,
    %get3A_175 = arith.constant 0 : i32
    %get3A_176 = arith.index_cast %get3A_175 : i32 to index
    %get3A_177 = arith.constant 48 : index
    %get3A_178 = tpu.vector_load %arg10[%get3A_176, %get3A_177] {strides = array<i32>} : memref<4x128xf32, #tpu.memory_space<vmem>>, vector<16xf32>,
    %gt3A_179 = arith.cmpf ogt, %get3A_174, %get3A_178 : vector<16xf32>
    %or3A_180 = arith.ori %or3A_170, %gt3A_179 : vector<16xi1>
    %get3A_181 = arith.constant 0 : i32
    %get3A_182 = arith.index_cast %get3A_181 : i32 to index
    %get3A_183 = arith.constant 64 : index
    %get3A_184 = tpu.vector_load %arg11[%get3A_182, %get3A_183] {strides = array<i32>} : memref<4x128xf32, #tpu.memory_space<vmem>>, vector<16xf32>,
    %get3A_185 = arith.constant 0 : i32
    %get3A_186 = arith.index_cast %get3A_185 : i32 to index
    %get3A_187 = arith.constant 64 : index
    %get3A_188 = tpu.vector_load %arg10[%get3A_186, %get3A_187] {strides = array<i32>} : memref<4x128xf32, #tpu.memory_space<vmem>>, vector<16xf32>,
    %gt3A_189 = arith.cmpf ogt, %get3A_184, %get3A_188 : vector<16xf32>
    %or3A_190 = arith.ori %or3A_180, %gt3A_189 : vector<16xi1>
    %get3A_191 = arith.constant 0 : i32
    %get3A_192 = arith.index_cast %get3A_191 : i32 to index
    %get3A_193 = arith.constant 80 : index
    %get3A_194 = tpu.vector_load %arg11[%get3A_192, %get3A_193] {strides = array<i32>} : memref<4x128xf32, #tpu.memory_space<vmem>>, vector<16xf32>,
    %get3A_195 = arith.constant 0 : i32
    %get3A_196 = arith.index_cast %get3A_195 : i32 to index
    %get3A_197 = arith.constant 80 : index
    %get3A_198 = tpu.vector_load %arg10[%get3A_196, %get3A_197] {strides = array<i32>} : memref<4x128xf32, #tpu.memory_space<vmem>>, vector<16xf32>,
    %gt3A_199 = arith.cmpf ogt, %get3A_194, %get3A_198 : vector<16xf32>
    %or3A_200 = arith.ori %or3A_190, %gt3A_199 : vector<16xi1>
    %get3A_201 = arith.constant 0 : i32
    %get3A_202 = arith.index_cast %get3A_201 : i32 to index
    %get3A_203 = arith.constant 96 : index
    %get3A_204 = tpu.vector_load %arg11[%get3A_202, %get3A_203] {strides = array<i32>} : memref<4x128xf32, #tpu.memory_space<vmem>>, vector<16xf32>,
    %get3A_205 = arith.constant 0 : i32
    %get3A_206 = arith.index_cast %get3A_205 : i32 to index
    %get3A_207 = arith.constant 96 : index
    %get3A_208 = tpu.vector_load %arg10[%get3A_206, %get3A_207] {strides = array<i32>} : memref<4x128xf32, #tpu.memory_space<vmem>>, vector<16xf32>,
    %gt3A_209 = arith.cmpf ogt, %get3A_204, %get3A_208 : vector<16xf32>
    %or3A_210 = arith.ori %or3A_200, %gt3A_209 : vector<16xi1>
    %get3A_211 = arith.constant 0 : i32
    %get3A_212 = arith.index_cast %get3A_211 : i32 to index
    %get3A_213 = arith.constant 112 : index
    %get3A_214 = tpu.vector_load %arg11[%get3A_212, %get3A_213] {strides = array<i32>} : memref<4x128xf32, #tpu.memory_space<vmem>>, vector<16xf32>,
    %get3A_215 = arith.constant 0 : i32
    %get3A_216 = arith.index_cast %get3A_215 : i32 to index
    %get3A_217 = arith.constant 112 : index
    %get3A_218 = tpu.vector_load %arg10[%get3A_216, %get3A_217] {strides = array<i32>} : memref<4x128xf32, #tpu.memory_space<vmem>>, vector<16xf32>,
    %gt3A_219 = arith.cmpf ogt, %get3A_214, %get3A_218 : vector<16xf32>
    %or3A_220 = arith.ori %or3A_210, %gt3A_219 : vector<16xi1>
    %get3A_221 = arith.constant 1 : i32
    %get3A_222 = arith.index_cast %get3A_221 : i32 to index
    %get3A_223 = arith.constant 0 : index
    %get3A_224 = tpu.vector_load %arg11[%get3A_222, %get3A_223] {strides = array<i32>} : memref<4x128xf32, #tpu.memory_space<vmem>>, vector<16xf32>,
    %get3A_225 = arith.constant 1 : i32
    %get3A_226 = arith.index_cast %get3A_225 : i32 to index
    %get3A_227 = arith.constant 0 : index
    %get3A_228 = tpu.vector_load %arg10[%get3A_226, %get3A_227] {strides = array<i32>} : memref<4x128xf32, #tpu.memory_space<vmem>>, vector<16xf32>,
    %gt3A_229 = arith.cmpf ogt, %get3A_224, %get3A_228 : vector<16xf32>
    %or3A_230 = arith.ori %or3A_220, %gt3A_229 : vector<16xi1>
    %get3A_231 = arith.constant 1 : i32
    %get3A_232 = arith.index_cast %get3A_231 : i32 to index
    %get3A_233 = arith.constant 16 : index
    %get3A_234 = tpu.vector_load %arg11[%get3A_232, %get3A_233] {strides = array<i32>} : memref<4x128xf32, #tpu.memory_space<vmem>>, vector<16xf32>,
    %get3A_235 = arith.constant 1 : i32
    %get3A_236 = arith.index_cast %get3A_235 : i32 to index
    %get3A_237 = arith.constant 16 : index
    %get3A_238 = tpu.vector_load %arg10[%get3A_236, %get3A_237] {strides = array<i32>} : memref<4x128xf32, #tpu.memory_space<vmem>>, vector<16xf32>,
    %gt3A_239 = arith.cmpf ogt, %get3A_234, %get3A_238 : vector<16xf32>
    %or3A_240 = arith.ori %or3A_230, %gt3A_239 : vector<16xi1>
    %get3A_241 = arith.constant 1 : i32
    %get3A_242 = arith.index_cast %get3A_241 : i32 to index
    %get3A_243 = arith.constant 32 : index
    %get3A_244 = tpu.vector_load %arg11[%get3A_242, %get3A_243] {strides = array<i32>} : memref<4x128xf32, #tpu.memory_space<vmem>>, vector<16xf32>,
    %get3A_245 = arith.constant 1 : i32
    %get3A_246 = arith.index_cast %get3A_245 : i32 to index
    %get3A_247 = arith.constant 32 : index
    %get3A_248 = tpu.vector_load %arg10[%get3A_246, %get3A_247] {strides = array<i32>} : memref<4x128xf32, #tpu.memory_space<vmem>>, vector<16xf32>,
    %gt3A_249 = arith.cmpf ogt, %get3A_244, %get3A_248 : vector<16xf32>
    %or3A_250 = arith.ori %or3A_240, %gt3A_249 : vector<16xi1>
    %get3A_251 = arith.constant 1 : i32
    %get3A_252 = arith.index_cast %get3A_251 : i32 to index
    %get3A_253 = arith.constant 48 : index
    %get3A_254 = tpu.vector_load %arg11[%get3A_252, %get3A_253] {strides = array<i32>} : memref<4x128xf32, #tpu.memory_space<vmem>>, vector<16xf32>,
    %get3A_255 = arith.constant 1 : i32
    %get3A_256 = arith.index_cast %get3A_255 : i32 to index
    %get3A_257 = arith.constant 48 : index
    %get3A_258 = tpu.vector_load %arg10[%get3A_256, %get3A_257] {strides = array<i32>} : memref<4x128xf32, #tpu.memory_space<vmem>>, vector<16xf32>,
    %gt3A_259 = arith.cmpf ogt, %get3A_254, %get3A_258 : vector<16xf32>
    %or3A_260 = arith.ori %or3A_250, %gt3A_259 : vector<16xi1>
    %get3A_261 = arith.constant 1 : i32
    %get3A_262 = arith.index_cast %get3A_261 : i32 to index
    %get3A_263 = arith.constant 64 : index
    %get3A_264 = tpu.vector_load %arg11[%get3A_262, %get3A_263] {strides = array<i32>} : memref<4x128xf32, #tpu.memory_space<vmem>>, vector<16xf32>,
    %get3A_265 = arith.constant 1 : i32
    %get3A_266 = arith.index_cast %get3A_265 : i32 to index
    %get3A_267 = arith.constant 64 : index
    %get3A_268 = tpu.vector_load %arg10[%get3A_266, %get3A_267] {strides = array<i32>} : memref<4x128xf32, #tpu.memory_space<vmem>>, vector<16xf32>,
    %gt3A_269 = arith.cmpf ogt, %get3A_264, %get3A_268 : vector<16xf32>
    %or3A_270 = arith.ori %or3A_260, %gt3A_269 : vector<16xi1>
    %get3A_271 = arith.constant 1 : i32
    %get3A_272 = arith.index_cast %get3A_271 : i32 to index
    %get3A_273 = arith.constant 80 : index
    %get3A_274 = tpu.vector_load %arg11[%get3A_272, %get3A_273] {strides = array<i32>} : memref<4x128xf32, #tpu.memory_space<vmem>>, vector<16xf32>,
    %get3A_275 = arith.constant 1 : i32
    %get3A_276 = arith.index_cast %get3A_275 : i32 to index
    %get3A_277 = arith.constant 80 : index
    %get3A_278 = tpu.vector_load %arg10[%get3A_276, %get3A_277] {strides = array<i32>} : memref<4x128xf32, #tpu.memory_space<vmem>>, vector<16xf32>,
    %gt3A_279 = arith.cmpf ogt, %get3A_274, %get3A_278 : vector<16xf32>
    %or3A_280 = arith.ori %or3A_270, %gt3A_279 : vector<16xi1>
    %get3A_281 = arith.constant 1 : i32
    %get3A_282 = arith.index_cast %get3A_281 : i32 to index
    %get3A_283 = arith.constant 96 : index
    %get3A_284 = tpu.vector_load %arg11[%get3A_282, %get3A_283] {strides = array<i32>} : memref<4x128xf32, #tpu.memory_space<vmem>>, vector<16xf32>,
    %get3A_285 = arith.constant 1 : i32
    %get3A_286 = arith.index_cast %get3A_285 : i32 to index
    %get3A_287 = arith.constant 96 : index
    %get3A_288 = tpu.vector_load %arg10[%get3A_286, %get3A_287] {strides = array<i32>} : memref<4x128xf32, #tpu.memory_space<vmem>>, vector<16xf32>,
    %gt3A_289 = arith.cmpf ogt, %get3A_284, %get3A_288 : vector<16xf32>
    %or3A_290 = arith.ori %or3A_280, %gt3A_289 : vector<16xi1>
    %get3A_291 = arith.constant 1 : i32
    %get3A_292 = arith.index_cast %get3A_291 : i32 to index
    %get3A_293 = arith.constant 112 : index
    %get3A_294 = tpu.vector_load %arg11[%get3A_292, %get3A_293] {strides = array<i32>} : memref<4x128xf32, #tpu.memory_space<vmem>>, vector<16xf32>,
    %get3A_295 = arith.constant 1 : i32
    %get3A_296 = arith.index_cast %get3A_295 : i32 to index
    %get3A_297 = arith.constant 112 : index
    %get3A_298 = tpu.vector_load %arg10[%get3A_296, %get3A_297] {strides = array<i32>} : memref<4x128xf32, #tpu.memory_space<vmem>>, vector<16xf32>,
    %gt3A_299 = arith.cmpf ogt, %get3A_294, %get3A_298 : vector<16xf32>
    %or3A_300 = arith.ori %or3A_290, %gt3A_299 : vector<16xi1>
    %get3A_301 = arith.constant 2 : i32
    %get3A_302 = arith.index_cast %get3A_301 : i32 to index
    %get3A_303 = arith.constant 0 : index
    %get3A_304 = tpu.vector_load %arg11[%get3A_302, %get3A_303] {strides = array<i32>} : memref<4x128xf32, #tpu.memory_space<vmem>>, vector<16xf32>,
    %get3A_305 = arith.constant 2 : i32
    %get3A_306 = arith.index_cast %get3A_305 : i32 to index
    %get3A_307 = arith.constant 0 : index
    %get3A_308 = tpu.vector_load %arg10[%get3A_306, %get3A_307] {strides = array<i32>} : memref<4x128xf32, #tpu.memory_space<vmem>>, vector<16xf32>,
    %gt3A_309 = arith.cmpf ogt, %get3A_304, %get3A_308 : vector<16xf32>
    %or3A_310 = arith.ori %or3A_300, %gt3A_309 : vector<16xi1>
    %get3A_311 = arith.constant 2 : i32
    %get3A_312 = arith.index_cast %get3A_311 : i32 to index
    %get3A_313 = arith.constant 16 : index
    %get3A_314 = tpu.vector_load %arg11[%get3A_312, %get3A_313] {strides = array<i32>} : memref<4x128xf32, #tpu.memory_space<vmem>>, vector<16xf32>,
    %get3A_315 = arith.constant 2 : i32
    %get3A_316 = arith.index_cast %get3A_315 : i32 to index
    %get3A_317 = arith.constant 16 : index
    %get3A_318 = tpu.vector_load %arg10[%get3A_316, %get3A_317] {strides = array<i32>} : memref<4x128xf32, #tpu.memory_space<vmem>>, vector<16xf32>,
    %gt3A_319 = arith.cmpf ogt, %get3A_314, %get3A_318 : vector<16xf32>
    %or3A_320 = arith.ori %or3A_310, %gt3A_319 : vector<16xi1>
    %get3A_321 = arith.constant 2 : i32
    %get3A_322 = arith.index_cast %get3A_321 : i32 to index
    %get3A_323 = arith.constant 32 : index
    %get3A_324 = tpu.vector_load %arg11[%get3A_322, %get3A_323] {strides = array<i32>} : memref<4x128xf32, #tpu.memory_space<vmem>>, vector<16xf32>,
    %get3A_325 = arith.constant 2 : i32
    %get3A_326 = arith.index_cast %get3A_325 : i32 to index
    %get3A_327 = arith.constant 32 : index
    %get3A_328 = tpu.vector_load %arg10[%get3A_326, %get3A_327] {strides = array<i32>} : memref<4x128xf32, #tpu.memory_space<vmem>>, vector<16xf32>,
    %gt3A_329 = arith.cmpf ogt, %get3A_324, %get3A_328 : vector<16xf32>
    %or3A_330 = arith.ori %or3A_320, %gt3A_329 : vector<16xi1>
    %get3A_331 = arith.constant 2 : i32
    %get3A_332 = arith.index_cast %get3A_331 : i32 to index
    %get3A_333 = arith.constant 48 : index
    %get3A_334 = tpu.vector_load %arg11[%get3A_332, %get3A_333] {strides = array<i32>} : memref<4x128xf32, #tpu.memory_space<vmem>>, vector<16xf32>,
    %get3A_335 = arith.constant 2 : i32
    %get3A_336 = arith.index_cast %get3A_335 : i32 to index
    %get3A_337 = arith.constant 48 : index
    %get3A_338 = tpu.vector_load %arg10[%get3A_336, %get3A_337] {strides = array<i32>} : memref<4x128xf32, #tpu.memory_space<vmem>>, vector<16xf32>,
    %gt3A_339 = arith.cmpf ogt, %get3A_334, %get3A_338 : vector<16xf32>
    %or3A_340 = arith.ori %or3A_330, %gt3A_339 : vector<16xi1>
    %get3A_341 = arith.constant 2 : i32
    %get3A_342 = arith.index_cast %get3A_341 : i32 to index
    %get3A_343 = arith.constant 64 : index
    %get3A_344 = tpu.vector_load %arg11[%get3A_342, %get3A_343] {strides = array<i32>} : memref<4x128xf32, #tpu.memory_space<vmem>>, vector<16xf32>,
    %get3A_345 = arith.constant 2 : i32
    %get3A_346 = arith.index_cast %get3A_345 : i32 to index
    %get3A_347 = arith.constant 64 : index
    %get3A_348 = tpu.vector_load %arg10[%get3A_346, %get3A_347] {strides = array<i32>} : memref<4x128xf32, #tpu.memory_space<vmem>>, vector<16xf32>,
    %gt3A_349 = arith.cmpf ogt, %get3A_344, %get3A_348 : vector<16xf32>
    %or3A_350 = arith.ori %or3A_340, %gt3A_349 : vector<16xi1>
    %get3A_351 = arith.constant 2 : i32
    %get3A_352 = arith.index_cast %get3A_351 : i32 to index
    %get3A_353 = arith.constant 80 : index
    %get3A_354 = tpu.vector_load %arg11[%get3A_352, %get3A_353] {strides = array<i32>} : memref<4x128xf32, #tpu.memory_space<vmem>>, vector<16xf32>,
    %get3A_355 = arith.constant 2 : i32
    %get3A_356 = arith.index_cast %get3A_355 : i32 to index
    %get3A_357 = arith.constant 80 : index
    %get3A_358 = tpu.vector_load %arg10[%get3A_356, %get3A_357] {strides = array<i32>} : memref<4x128xf32, #tpu.memory_space<vmem>>, vector<16xf32>,
    %gt3A_359 = arith.cmpf ogt, %get3A_354, %get3A_358 : vector<16xf32>
    %or3A_360 = arith.ori %or3A_350, %gt3A_359 : vector<16xi1>
    %get3A_361 = arith.constant 2 : i32
    %get3A_362 = arith.index_cast %get3A_361 : i32 to index
    %get3A_363 = arith.constant 96 : index
    %get3A_364 = tpu.vector_load %arg11[%get3A_362, %get3A_363] {strides = array<i32>} : memref<4x128xf32, #tpu.memory_space<vmem>>, vector<16xf32>,
    %get3A_365 = arith.constant 2 : i32
    %get3A_366 = arith.index_cast %get3A_365 : i32 to index
    %get3A_367 = arith.constant 96 : index
    %get3A_368 = tpu.vector_load %arg10[%get3A_366, %get3A_367] {strides = array<i32>} : memref<4x128xf32, #tpu.memory_space<vmem>>, vector<16xf32>,
    %gt3A_369 = arith.cmpf ogt, %get3A_364, %get3A_368 : vector<16xf32>
    %or3A_370 = arith.ori %or3A_360, %gt3A_369 : vector<16xi1>
    %get3A_371 = arith.constant 2 : i32
    %get3A_372 = arith.index_cast %get3A_371 : i32 to index
    %get3A_373 = arith.constant 112 : index
    %get3A_374 = tpu.vector_load %arg11[%get3A_372, %get3A_373] {strides = array<i32>} : memref<4x128xf32, #tpu.memory_space<vmem>>, vector<16xf32>,
    %get3A_375 = arith.constant 2 : i32
    %get3A_376 = arith.index_cast %get3A_375 : i32 to index
    %get3A_377 = arith.constant 112 : index
    %get3A_378 = tpu.vector_load %arg10[%get3A_376, %get3A_377] {strides = array<i32>} : memref<4x128xf32, #tpu.memory_space<vmem>>, vector<16xf32>,
    %gt3A_379 = arith.cmpf ogt, %get3A_374, %get3A_378 : vector<16xf32>
    %or3A_380 = arith.ori %or3A_370, %gt3A_379 : vector<16xi1>
    %get3A_381 = arith.constant 3 : i32
    %get3A_382 = arith.index_cast %get3A_381 : i32 to index
    %get3A_383 = arith.constant 0 : index
    %get3A_384 = tpu.vector_load %arg11[%get3A_382, %get3A_383] {strides = array<i32>} : memref<4x128xf32, #tpu.memory_space<vmem>>, vector<16xf32>,
    %get3A_385 = arith.constant 3 : i32
    %get3A_386 = arith.index_cast %get3A_385 : i32 to index
    %get3A_387 = arith.constant 0 : index
    %get3A_388 = tpu.vector_load %arg10[%get3A_386, %get3A_387] {strides = array<i32>} : memref<4x128xf32, #tpu.memory_space<vmem>>, vector<16xf32>,
    %gt3A_389 = arith.cmpf ogt, %get3A_384, %get3A_388 : vector<16xf32>
    %or3A_390 = arith.ori %or3A_380, %gt3A_389 : vector<16xi1>
    %get3A_391 = arith.constant 3 : i32
    %get3A_392 = arith.index_cast %get3A_391 : i32 to index
    %get3A_393 = arith.constant 16 : index
    %get3A_394 = tpu.vector_load %arg11[%get3A_392, %get3A_393] {strides = array<i32>} : memref<4x128xf32, #tpu.memory_space<vmem>>, vector<16xf32>,
    %get3A_395 = arith.constant 3 : i32
    %get3A_396 = arith.index_cast %get3A_395 : i32 to index
    %get3A_397 = arith.constant 16 : index
    %get3A_398 = tpu.vector_load %arg10[%get3A_396, %get3A_397] {strides = array<i32>} : memref<4x128xf32, #tpu.memory_space<vmem>>, vector<16xf32>,
    %gt3A_399 = arith.cmpf ogt, %get3A_394, %get3A_398 : vector<16xf32>
    %or3A_400 = arith.ori %or3A_390, %gt3A_399 : vector<16xi1>
    %get3A_401 = arith.constant 3 : i32
    %get3A_402 = arith.index_cast %get3A_401 : i32 to index
    %get3A_403 = arith.constant 32 : index
    %get3A_404 = tpu.vector_load %arg11[%get3A_402, %get3A_403] {strides = array<i32>} : memref<4x128xf32, #tpu.memory_space<vmem>>, vector<16xf32>,
    %get3A_405 = arith.constant 3 : i32
    %get3A_406 = arith.index_cast %get3A_405 : i32 to index
    %get3A_407 = arith.constant 32 : index
    %get3A_408 = tpu.vector_load %arg10[%get3A_406, %get3A_407] {strides = array<i32>} : memref<4x128xf32, #tpu.memory_space<vmem>>, vector<16xf32>,
    %gt3A_409 = arith.cmpf ogt, %get3A_404, %get3A_408 : vector<16xf32>
    %or3A_410 = arith.ori %or3A_400, %gt3A_409 : vector<16xi1>
    %get3A_411 = arith.constant 3 : i32
    %get3A_412 = arith.index_cast %get3A_411 : i32 to index
    %get3A_413 = arith.constant 48 : index
    %get3A_414 = tpu.vector_load %arg11[%get3A_412, %get3A_413] {strides = array<i32>} : memref<4x128xf32, #tpu.memory_space<vmem>>, vector<16xf32>,
    %get3A_415 = arith.constant 3 : i32
    %get3A_416 = arith.index_cast %get3A_415 : i32 to index
    %get3A_417 = arith.constant 48 : index
    %get3A_418 = tpu.vector_load %arg10[%get3A_416, %get3A_417] {strides = array<i32>} : memref<4x128xf32, #tpu.memory_space<vmem>>, vector<16xf32>,
    %gt3A_419 = arith.cmpf ogt, %get3A_414, %get3A_418 : vector<16xf32>
    %or3A_420 = arith.ori %or3A_410, %gt3A_419 : vector<16xi1>
    %get3A_421 = arith.constant 3 : i32
    %get3A_422 = arith.index_cast %get3A_421 : i32 to index
    %get3A_423 = arith.constant 64 : index
    %get3A_424 = tpu.vector_load %arg11[%get3A_422, %get3A_423] {strides = array<i32>} : memref<4x128xf32, #tpu.memory_space<vmem>>, vector<16xf32>,
    %get3A_425 = arith.constant 3 : i32
    %get3A_426 = arith.index_cast %get3A_425 : i32 to index
    %get3A_427 = arith.constant 64 : index
    %get3A_428 = tpu.vector_load %arg10[%get3A_426, %get3A_427] {strides = array<i32>} : memref<4x128xf32, #tpu.memory_space<vmem>>, vector<16xf32>,
    %gt3A_429 = arith.cmpf ogt, %get3A_424, %get3A_428 : vector<16xf32>
    %or3A_430 = arith.ori %or3A_420, %gt3A_429 : vector<16xi1>
    %get3A_431 = arith.constant 3 : i32
    %get3A_432 = arith.index_cast %get3A_431 : i32 to index
    %get3A_433 = arith.constant 80 : index
    %get3A_434 = tpu.vector_load %arg11[%get3A_432, %get3A_433] {strides = array<i32>} : memref<4x128xf32, #tpu.memory_space<vmem>>, vector<16xf32>,
    %get3A_435 = arith.constant 3 : i32
    %get3A_436 = arith.index_cast %get3A_435 : i32 to index
    %get3A_437 = arith.constant 80 : index
    %get3A_438 = tpu.vector_load %arg10[%get3A_436, %get3A_437] {strides = array<i32>} : memref<4x128xf32, #tpu.memory_space<vmem>>, vector<16xf32>,
    %gt3A_439 = arith.cmpf ogt, %get3A_434, %get3A_438 : vector<16xf32>
    %or3A_440 = arith.ori %or3A_430, %gt3A_439 : vector<16xi1>
    %get3A_441 = arith.constant 3 : i32
    %get3A_442 = arith.index_cast %get3A_441 : i32 to index
    %get3A_443 = arith.constant 96 : index
    %get3A_444 = tpu.vector_load %arg11[%get3A_442, %get3A_443] {strides = array<i32>} : memref<4x128xf32, #tpu.memory_space<vmem>>, vector<16xf32>,
    %get3A_445 = arith.constant 3 : i32
    %get3A_446 = arith.index_cast %get3A_445 : i32 to index
    %get3A_447 = arith.constant 96 : index
    %get3A_448 = tpu.vector_load %arg10[%get3A_446, %get3A_447] {strides = array<i32>} : memref<4x128xf32, #tpu.memory_space<vmem>>, vector<16xf32>,
    %gt3A_449 = arith.cmpf ogt, %get3A_444, %get3A_448 : vector<16xf32>
    %or3A_450 = arith.ori %or3A_440, %gt3A_449 : vector<16xi1>
    %get3A_451 = arith.constant 3 : i32
    %get3A_452 = arith.index_cast %get3A_451 : i32 to index
    %get3A_453 = arith.constant 112 : index
    %get3A_454 = tpu.vector_load %arg11[%get3A_452, %get3A_453] {strides = array<i32>} : memref<4x128xf32, #tpu.memory_space<vmem>>, vector<16xf32>,
    %get3A_455 = arith.constant 3 : i32
    %get3A_456 = arith.index_cast %get3A_455 : i32 to index
    %get3A_457 = arith.constant 112 : index
    %get3A_458 = tpu.vector_load %arg10[%get3A_456, %get3A_457] {strides = array<i32>} : memref<4x128xf32, #tpu.memory_space<vmem>>, vector<16xf32>,
    %gt3A_459 = arith.cmpf ogt, %get3A_454, %get3A_458 : vector<16xf32>
    %or3A_460 = arith.ori %or3A_450, %gt3A_459 : vector<16xi1>
    %all_reduce_population_count3A = tpu.all_reduce %or3A_460 {dim = 0 : i64, kind = #tpu.reduction_kind<sum>} : vector<16xi1> -> vector<16xi32>
    %slice3A = vector.extract_strided_slice %all_reduce_population_count3A {offsets = [0], sizes = [1], strides = [1]} : vector<16xi32> to vector<1xi32>
    %squeeze3A = vector.extract %slice3A[0] : i32 from vector<1xi32>
    %gt3A_461 = arith.constant 0 : i32
    %gt3A_462 = arith.cmpi sgt, %squeeze3A, %gt3A_461 : i32
    %convert_element_type3A = arith.extui %gt3A_462 : i1 to i32
    %cond3A = arith.constant 0 : i32
    %cond3A_463 = arith.cmpi ne, %convert_element_type3A, %cond3A : i32
    scf.if %cond3A_463 {
      %broadcast_in_dim3A_728 = arith.constant 0x7FC00000 : f32
      %broadcast_in_dim3A_729 = vector.broadcast %broadcast_in_dim3A_728 : f32 to vector<16xf32>
      %swap3A = arith.constant 0 : i32
      %swap3A_730 = arith.index_cast %swap3A : i32 to index
      %swap3A_731 = arith.constant 0 : index
      %swap3A_732 = tpu.vector_load %arg10[%swap3A_730, %swap3A_731] {strides = array<i32>} : memref<4x128xf32, #tpu.memory_space<vmem>>, vector<16xf32>,
      tpu.vector_store %arg10[%swap3A_730, %swap3A_731], %broadcast_in_dim3A_729 {strides = array<i32>} : memref<4x128xf32, #tpu.memory_space<vmem>>, vector<16xf32>,
      %swap3A_733 = arith.constant 0 : i32
      %swap3A_734 = arith.index_cast %swap3A_733 : i32 to index
      %swap3A_735 = arith.constant 16 : index
      %swap3A_736 = tpu.vector_load %arg10[%swap3A_734, %swap3A_735] {strides = array<i32>} : memref<4x128xf32, #tpu.memory_space<vmem>>, vector<16xf32>,
      tpu.vector_store %arg10[%swap3A_734, %swap3A_735], %broadcast_in_dim3A_729 {strides = array<i32>} : memref<4x128xf32, #tpu.memory_space<vmem>>, vector<16xf32>,
      %swap3A_737 = arith.constant 0 : i32
      %swap3A_738 = arith.index_cast %swap3A_737 : i32 to index
      %swap3A_739 = arith.constant 32 : index
      %swap3A_740 = tpu.vector_load %arg10[%swap3A_738, %swap3A_739] {strides = array<i32>} : memref<4x128xf32, #tpu.memory_space<vmem>>, vector<16xf32>,
      tpu.vector_store %arg10[%swap3A_738, %swap3A_739], %broadcast_in_dim3A_729 {strides = array<i32>} : memref<4x128xf32, #tpu.memory_space<vmem>>, vector<16xf32>,
      %swap3A_741 = arith.constant 0 : i32
      %swap3A_742 = arith.index_cast %swap3A_741 : i32 to index
      %swap3A_743 = arith.constant 48 : index
      %swap3A_744 = tpu.vector_load %arg10[%swap3A_742, %swap3A_743] {strides = array<i32>} : memref<4x128xf32, #tpu.memory_space<vmem>>, vector<16xf32>,
      tpu.vector_store %arg10[%swap3A_742, %swap3A_743], %broadcast_in_dim3A_729 {strides = array<i32>} : memref<4x128xf32, #tpu.memory_space<vmem>>, vector<16xf32>,
      %swap3A_745 = arith.constant 0 : i32
      %swap3A_746 = arith.index_cast %swap3A_745 : i32 to index
      %swap3A_747 = arith.constant 64 : index
      %swap3A_748 = tpu.vector_load %arg10[%swap3A_746, %swap3A_747] {strides = array<i32>} : memref<4x128xf32, #tpu.memory_space<vmem>>, vector<16xf32>,
      tpu.vector_store %arg10[%swap3A_746, %swap3A_747], %broadcast_in_dim3A_729 {strides = array<i32>} : memref<4x128xf32, #tpu.memory_space<vmem>>, vector<16xf32>,
      %swap3A_749 = arith.constant 0 : i32
      %swap3A_750 = arith.index_cast %swap3A_749 : i32 to index
      %swap3A_751 = arith.constant 80 : index
      %swap3A_752 = tpu.vector_load %arg10[%swap3A_750, %swap3A_751] {strides = array<i32>} : memref<4x128xf32, #tpu.memory_space<vmem>>, vector<16xf32>,
      tpu.vector_store %arg10[%swap3A_750, %swap3A_751], %broadcast_in_dim3A_729 {strides = array<i32>} : memref<4x128xf32, #tpu.memory_space<vmem>>, vector<16xf32>,
      %swap3A_753 = arith.constant 0 : i32
      %swap3A_754 = arith.index_cast %swap3A_753 : i32 to index
      %swap3A_755 = arith.constant 96 : index
      %swap3A_756 = tpu.vector_load %arg10[%swap3A_754, %swap3A_755] {strides = array<i32>} : memref<4x128xf32, #tpu.memory_space<vmem>>, vector<16xf32>,
      tpu.vector_store %arg10[%swap3A_754, %swap3A_755], %broadcast_in_dim3A_729 {strides = array<i32>} : memref<4x128xf32, #tpu.memory_space<vmem>>, vector<16xf32>,
      %swap3A_757 = arith.constant 0 : i32
      %swap3A_758 = arith.index_cast %swap3A_757 : i32 to index
      %swap3A_759 = arith.constant 112 : index
      %swap3A_760 = tpu.vector_load %arg10[%swap3A_758, %swap3A_759] {strides = array<i32>} : memref<4x128xf32, #tpu.memory_space<vmem>>, vector<16xf32>,
      tpu.vector_store %arg10[%swap3A_758, %swap3A_759], %broadcast_in_dim3A_729 {strides = array<i32>} : memref<4x128xf32, #tpu.memory_space<vmem>>, vector<16xf32>,
      %swap3A_761 = arith.constant 1 : i32
      %swap3A_762 = arith.index_cast %swap3A_761 : i32 to index
      %swap3A_763 = arith.constant 0 : index
      %swap3A_764 = tpu.vector_load %arg10[%swap3A_762, %swap3A_763] {strides = array<i32>} : memref<4x128xf32, #tpu.memory_space<vmem>>, vector<16xf32>,
      tpu.vector_store %arg10[%swap3A_762, %swap3A_763], %broadcast_in_dim3A_729 {strides = array<i32>} : memref<4x128xf32, #tpu.memory_space<vmem>>, vector<16xf32>,
      %swap3A_765 = arith.constant 1 : i32
      %swap3A_766 = arith.index_cast %swap3A_765 : i32 to index
      %swap3A_767 = arith.constant 16 : index
      %swap3A_768 = tpu.vector_load %arg10[%swap3A_766, %swap3A_767] {strides = array<i32>} : memref<4x128xf32, #tpu.memory_space<vmem>>, vector<16xf32>,
      tpu.vector_store %arg10[%swap3A_766, %swap3A_767], %broadcast_in_dim3A_729 {strides = array<i32>} : memref<4x128xf32, #tpu.memory_space<vmem>>, vector<16xf32>,
      %swap3A_769 = arith.constant 1 : i32
      %swap3A_770 = arith.index_cast %swap3A_769 : i32 to index
      %swap3A_771 = arith.constant 32 : index
      %swap3A_772 = tpu.vector_load %arg10[%swap3A_770, %swap3A_771] {strides = array<i32>} : memref<4x128xf32, #tpu.memory_space<vmem>>, vector<16xf32>,
      tpu.vector_store %arg10[%swap3A_770, %swap3A_771], %broadcast_in_dim3A_729 {strides = array<i32>} : memref<4x128xf32, #tpu.memory_space<vmem>>, vector<16xf32>,
      %swap3A_773 = arith.constant 1 : i32
      %swap3A_774 = arith.index_cast %swap3A_773 : i32 to index
      %swap3A_775 = arith.constant 48 : index
      %swap3A_776 = tpu.vector_load %arg10[%swap3A_774, %swap3A_775] {strides = array<i32>} : memref<4x128xf32, #tpu.memory_space<vmem>>, vector<16xf32>,
      tpu.vector_store %arg10[%swap3A_774, %swap3A_775], %broadcast_in_dim3A_729 {strides = array<i32>} : memref<4x128xf32, #tpu.memory_space<vmem>>, vector<16xf32>,
      %swap3A_777 = arith.constant 1 : i32
      %swap3A_778 = arith.index_cast %swap3A_777 : i32 to index
      %swap3A_779 = arith.constant 64 : index
      %swap3A_780 = tpu.vector_load %arg10[%swap3A_778, %swap3A_779] {strides = array<i32>} : memref<4x128xf32, #tpu.memory_space<vmem>>, vector<16xf32>,
      tpu.vector_store %arg10[%swap3A_778, %swap3A_779], %broadcast_in_dim3A_729 {strides = array<i32>} : memref<4x128xf32, #tpu.memory_space<vmem>>, vector<16xf32>,
      %swap3A_781 = arith.constant 1 : i32
      %swap3A_782 = arith.index_cast %swap3A_781 : i32 to index
      %swap3A_783 = arith.constant 80 : index
      %swap3A_784 = tpu.vector_load %arg10[%swap3A_782, %swap3A_783] {strides = array<i32>} : memref<4x128xf32, #tpu.memory_space<vmem>>, vector<16xf32>,
      tpu.vector_store %arg10[%swap3A_782, %swap3A_783], %broadcast_in_dim3A_729 {strides = array<i32>} : memref<4x128xf32, #tpu.memory_space<vmem>>, vector<16xf32>,
      %swap3A_785 = arith.constant 1 : i32
      %swap3A_786 = arith.index_cast %swap3A_785 : i32 to index
      %swap3A_787 = arith.constant 96 : index
      %swap3A_788 = tpu.vector_load %arg10[%swap3A_786, %swap3A_787] {strides = array<i32>} : memref<4x128xf32, #tpu.memory_space<vmem>>, vector<16xf32>,
      tpu.vector_store %arg10[%swap3A_786, %swap3A_787], %broadcast_in_dim3A_729 {strides = array<i32>} : memref<4x128xf32, #tpu.memory_space<vmem>>, vector<16xf32>,
      %swap3A_789 = arith.constant 1 : i32
      %swap3A_790 = arith.index_cast %swap3A_789 : i32 to index
      %swap3A_791 = arith.constant 112 : index
      %swap3A_792 = tpu.vector_load %arg10[%swap3A_790, %swap3A_791] {strides = array<i32>} : memref<4x128xf32, #tpu.memory_space<vmem>>, vector<16xf32>,
      tpu.vector_store %arg10[%swap3A_790, %swap3A_791], %broadcast_in_dim3A_729 {strides = array<i32>} : memref<4x128xf32, #tpu.memory_space<vmem>>, vector<16xf32>,
      %swap3A_793 = arith.constant 2 : i32
      %swap3A_794 = arith.index_cast %swap3A_793 : i32 to index
      %swap3A_795 = arith.constant 0 : index
      %swap3A_796 = tpu.vector_load %arg10[%swap3A_794, %swap3A_795] {strides = array<i32>} : memref<4x128xf32, #tpu.memory_space<vmem>>, vector<16xf32>,
      tpu.vector_store %arg10[%swap3A_794, %swap3A_795], %broadcast_in_dim3A_729 {strides = array<i32>} : memref<4x128xf32, #tpu.memory_space<vmem>>, vector<16xf32>,
      %swap3A_797 = arith.constant 2 : i32
      %swap3A_798 = arith.index_cast %swap3A_797 : i32 to index
      %swap3A_799 = arith.constant 16 : index
      %swap3A_800 = tpu.vector_load %arg10[%swap3A_798, %swap3A_799] {strides = array<i32>} : memref<4x128xf32, #tpu.memory_space<vmem>>, vector<16xf32>,
      tpu.vector_store %arg10[%swap3A_798, %swap3A_799], %broadcast_in_dim3A_729 {strides = array<i32>} : memref<4x128xf32, #tpu.memory_space<vmem>>, vector<16xf32>,
      %swap3A_801 = arith.constant 2 : i32
      %swap3A_802 = arith.index_cast %swap3A_801 : i32 to index
      %swap3A_803 = arith.constant 32 : index
      %swap3A_804 = tpu.vector_load %arg10[%swap3A_802, %swap3A_803] {strides = array<i32>} : memref<4x128xf32, #tpu.memory_space<vmem>>, vector<16xf32>,
      tpu.vector_store %arg10[%swap3A_802, %swap3A_803], %broadcast_in_dim3A_729 {strides = array<i32>} : memref<4x128xf32, #tpu.memory_space<vmem>>, vector<16xf32>,
      %swap3A_805 = arith.constant 2 : i32
      %swap3A_806 = arith.index_cast %swap3A_805 : i32 to index
      %swap3A_807 = arith.constant 48 : index
      %swap3A_808 = tpu.vector_load %arg10[%swap3A_806, %swap3A_807] {strides = array<i32>} : memref<4x128xf32, #tpu.memory_space<vmem>>, vector<16xf32>,
      tpu.vector_store %arg10[%swap3A_806, %swap3A_807], %broadcast_in_dim3A_729 {strides = array<i32>} : memref<4x128xf32, #tpu.memory_space<vmem>>, vector<16xf32>,
      %swap3A_809 = arith.constant 2 : i32
      %swap3A_810 = arith.index_cast %swap3A_809 : i32 to index
      %swap3A_811 = arith.constant 64 : index
      %swap3A_812 = tpu.vector_load %arg10[%swap3A_810, %swap3A_811] {strides = array<i32>} : memref<4x128xf32, #tpu.memory_space<vmem>>, vector<16xf32>,
      tpu.vector_store %arg10[%swap3A_810, %swap3A_811], %broadcast_in_dim3A_729 {strides = array<i32>} : memref<4x128xf32, #tpu.memory_space<vmem>>, vector<16xf32>,
      %swap3A_813 = arith.constant 2 : i32
      %swap3A_814 = arith.index_cast %swap3A_813 : i32 to index
      %swap3A_815 = arith.constant 80 : index
      %swap3A_816 = tpu.vector_load %arg10[%swap3A_814, %swap3A_815] {strides = array<i32>} : memref<4x128xf32, #tpu.memory_space<vmem>>, vector<16xf32>,
      tpu.vector_store %arg10[%swap3A_814, %swap3A_815], %broadcast_in_dim3A_729 {strides = array<i32>} : memref<4x128xf32, #tpu.memory_space<vmem>>, vector<16xf32>,
      %swap3A_817 = arith.constant 2 : i32
      %swap3A_818 = arith.index_cast %swap3A_817 : i32 to index
      %swap3A_819 = arith.constant 96 : index
      %swap3A_820 = tpu.vector_load %arg10[%swap3A_818, %swap3A_819] {strides = array<i32>} : memref<4x128xf32, #tpu.memory_space<vmem>>, vector<16xf32>,
      tpu.vector_store %arg10[%swap3A_818, %swap3A_819], %broadcast_in_dim3A_729 {strides = array<i32>} : memref<4x128xf32, #tpu.memory_space<vmem>>, vector<16xf32>,
      %swap3A_821 = arith.constant 2 : i32
      %swap3A_822 = arith.index_cast %swap3A_821 : i32 to index
      %swap3A_823 = arith.constant 112 : index
      %swap3A_824 = tpu.vector_load %arg10[%swap3A_822, %swap3A_823] {strides = array<i32>} : memref<4x128xf32, #tpu.memory_space<vmem>>, vector<16xf32>,
      tpu.vector_store %arg10[%swap3A_822, %swap3A_823], %broadcast_in_dim3A_729 {strides = array<i32>} : memref<4x128xf32, #tpu.memory_space<vmem>>, vector<16xf32>,
      %swap3A_825 = arith.constant 3 : i32
      %swap3A_826 = arith.index_cast %swap3A_825 : i32 to index
      %swap3A_827 = arith.constant 0 : index
      %swap3A_828 = tpu.vector_load %arg10[%swap3A_826, %swap3A_827] {strides = array<i32>} : memref<4x128xf32, #tpu.memory_space<vmem>>, vector<16xf32>,
      tpu.vector_store %arg10[%swap3A_826, %swap3A_827], %broadcast_in_dim3A_729 {strides = array<i32>} : memref<4x128xf32, #tpu.memory_space<vmem>>, vector<16xf32>,
      %swap3A_829 = arith.constant 3 : i32
      %swap3A_830 = arith.index_cast %swap3A_829 : i32 to index
      %swap3A_831 = arith.constant 16 : index
      %swap3A_832 = tpu.vector_load %arg10[%swap3A_830, %swap3A_831] {strides = array<i32>} : memref<4x128xf32, #tpu.memory_space<vmem>>, vector<16xf32>,
      tpu.vector_store %arg10[%swap3A_830, %swap3A_831], %broadcast_in_dim3A_729 {strides = array<i32>} : memref<4x128xf32, #tpu.memory_space<vmem>>, vector<16xf32>,
      %swap3A_833 = arith.constant 3 : i32
      %swap3A_834 = arith.index_cast %swap3A_833 : i32 to index
      %swap3A_835 = arith.constant 32 : index
      %swap3A_836 = tpu.vector_load %arg10[%swap3A_834, %swap3A_835] {strides = array<i32>} : memref<4x128xf32, #tpu.memory_space<vmem>>, vector<16xf32>,
      tpu.vector_store %arg10[%swap3A_834, %swap3A_835], %broadcast_in_dim3A_729 {strides = array<i32>} : memref<4x128xf32, #tpu.memory_space<vmem>>, vector<16xf32>,
      %swap3A_837 = arith.constant 3 : i32
      %swap3A_838 = arith.index_cast %swap3A_837 : i32 to index
      %swap3A_839 = arith.constant 48 : index
      %swap3A_840 = tpu.vector_load %arg10[%swap3A_838, %swap3A_839] {strides = array<i32>} : memref<4x128xf32, #tpu.memory_space<vmem>>, vector<16xf32>,
      tpu.vector_store %arg10[%swap3A_838, %swap3A_839], %broadcast_in_dim3A_729 {strides = array<i32>} : memref<4x128xf32, #tpu.memory_space<vmem>>, vector<16xf32>,
      %swap3A_841 = arith.constant 3 : i32
      %swap3A_842 = arith.index_cast %swap3A_841 : i32 to index
      %swap3A_843 = arith.constant 64 : index
      %swap3A_844 = tpu.vector_load %arg10[%swap3A_842, %swap3A_843] {strides = array<i32>} : memref<4x128xf32, #tpu.memory_space<vmem>>, vector<16xf32>,
      tpu.vector_store %arg10[%swap3A_842, %swap3A_843], %broadcast_in_dim3A_729 {strides = array<i32>} : memref<4x128xf32, #tpu.memory_space<vmem>>, vector<16xf32>,
      %swap3A_845 = arith.constant 3 : i32
      %swap3A_846 = arith.index_cast %swap3A_845 : i32 to index
      %swap3A_847 = arith.constant 80 : index
      %swap3A_848 = tpu.vector_load %arg10[%swap3A_846, %swap3A_847] {strides = array<i32>} : memref<4x128xf32, #tpu.memory_space<vmem>>, vector<16xf32>,
      tpu.vector_store %arg10[%swap3A_846, %swap3A_847], %broadcast_in_dim3A_729 {strides = array<i32>} : memref<4x128xf32, #tpu.memory_space<vmem>>, vector<16xf32>,
      %swap3A_849 = arith.constant 3 : i32
      %swap3A_850 = arith.index_cast %swap3A_849 : i32 to index
      %swap3A_851 = arith.constant 96 : index
      %swap3A_852 = tpu.vector_load %arg10[%swap3A_850, %swap3A_851] {strides = array<i32>} : memref<4x128xf32, #tpu.memory_space<vmem>>, vector<16xf32>,
      tpu.vector_store %arg10[%swap3A_850, %swap3A_851], %broadcast_in_dim3A_729 {strides = array<i32>} : memref<4x128xf32, #tpu.memory_space<vmem>>, vector<16xf32>,
      %swap3A_853 = arith.constant 3 : i32
      %swap3A_854 = arith.index_cast %swap3A_853 : i32 to index
      %swap3A_855 = arith.constant 112 : index
      %swap3A_856 = tpu.vector_load %arg10[%swap3A_854, %swap3A_855] {strides = array<i32>} : memref<4x128xf32, #tpu.memory_space<vmem>>, vector<16xf32>,
      tpu.vector_store %arg10[%swap3A_854, %swap3A_855], %broadcast_in_dim3A_729 {strides = array<i32>} : memref<4x128xf32, #tpu.memory_space<vmem>>, vector<16xf32>,
    } else {
    }
    %dma_wait3A_464 = arith.constant 0 : i32
    %dma_wait3A_465 = arith.constant 0 : i32
    %dma_wait3A_466 = arith.constant 0 : i32
    %dma_wait3A_467 = arith.constant 0 : i32
    %dma_wait3A_468 = arith.constant 0 : i32
    %dma_wait3A_469 = tpu.memref_slice %arg9[%dma_wait3A_465, %dma_wait3A_467, %dma_wait3A_468] : memref<4x128x128xf32, #tpu.memory_space<vmem>> -> memref<1x128x128xf32, #tpu.memory_space<vmem>>
    %dma_wait3A_470 = tpu.memref_squeeze %dma_wait3A_469 : memref<1x128x128xf32, #tpu.memory_space<vmem>> -> memref<128x128xf32, #tpu.memory_space<vmem>>
    %dma_wait3A_471 = arith.constant 0 : i32
    %dma_wait3A_472 = tpu.memref_slice %arg8[%dma_wait3A_464, %dma_wait3A_471] : memref<4x128xi32, #tpu.memory_space<vmem>> -> memref<1x128xi32, #tpu.memory_space<vmem>>
    %dma_wait3A_473 = tpu.memref_squeeze %dma_wait3A_472 : memref<1x128xi32, #tpu.memory_space<vmem>> -> memref<128xi32, #tpu.memory_space<vmem>>
    %dma_wait3A_474 = arith.constant 0 : i32
    %dma_wait3A_475 = arith.constant 0 : i32
    %dma_wait3A_476 = tpu.memref_slice %arg4[%dma_wait3A_474, %dma_wait3A_475] : memref<100000x128xf32, #tpu.memory_space<hbm>> -> memref<100000x128xf32, #tpu.memory_space<hbm>>
    %dma_wait3A_477 = tpu.memref_slice %arg12[%dma_wait3A_466] : memref<4x!tpu.dma_semaphore, #tpu.memory_space<semaphore_mem>> -> memref<1x!tpu.dma_semaphore, #tpu.memory_space<semaphore_mem>>
    %dma_wait3A_478 = tpu.memref_squeeze %dma_wait3A_477 : memref<1x!tpu.dma_semaphore, #tpu.memory_space<semaphore_mem>> -> memref<!tpu.dma_semaphore, #tpu.memory_space<semaphore_mem>>
    tpu.wait_indirect_dma semaphore(%dma_wait3A_478 : memref<!tpu.dma_semaphore, #tpu.memory_space<semaphore_mem>>) src(%dma_wait3A_476 : memref<100000x128xf32, #tpu.memory_space<hbm>>) dst(%dma_wait3A_470 : memref<128x128xf32, #tpu.memory_space<vmem>>)
    %convert_element_type3A_479 = arith.extui %gt3A_462 : i1 to i32
    %cond3A_480 = arith.constant 0 : i32
    %cond3A_481 = arith.cmpi ne, %convert_element_type3A_479, %cond3A_480 : i32
    scf.if %cond3A_481 {
      %broadcast_in_dim3A_728 = arith.constant 0x7FC00000 : f32
      %broadcast_in_dim3A_729 = vector.broadcast %broadcast_in_dim3A_728 : f32 to vector<16xf32>
      %scan3A = arith.constant 0 : i32
      %scan3A_730 = arith.constant 0 : i32
      %scan3A_731 = arith.constant 128 : i32
      %scan3A_732 = arith.addi %scan3A_730, %scan3A_731 : i32
      %scan3A_733 = arith.constant 1 : i32
      %scan3A_734 = scf.for %scan3A_736 = %scan3A_730 to %scan3A_732 step %scan3A_733 iter_args(%scan3A_737 = %scan3A) -> (i32)  : i32 {
        %swap3A = arith.constant 0 : i32
        %swap3A_738 = arith.index_cast %swap3A : i32 to index
        %swap3A_739 = arith.index_cast %scan3A_736 : i32 to index
        %swap3A_740 = arith.constant 0 : index
        %swap3A_741 = tpu.vector_load %arg9[%swap3A_738, %swap3A_739, %swap3A_740] {strides = array<i32>} : memref<4x128x128xf32, #tpu.memory_space<vmem>>, vector<16xf32>,
        tpu.vector_store %arg9[%swap3A_738, %swap3A_739, %swap3A_740], %broadcast_in_dim3A_729 {strides = array<i32>} : memref<4x128x128xf32, #tpu.memory_space<vmem>>, vector<16xf32>,
        %swap3A_742 = arith.constant 0 : i32
        %swap3A_743 = arith.index_cast %swap3A_742 : i32 to index
        %swap3A_744 = arith.index_cast %scan3A_736 : i32 to index
        %swap3A_745 = arith.constant 16 : index
        %swap3A_746 = tpu.vector_load %arg9[%swap3A_743, %swap3A_744, %swap3A_745] {strides = array<i32>} : memref<4x128x128xf32, #tpu.memory_space<vmem>>, vector<16xf32>,
        tpu.vector_store %arg9[%swap3A_743, %swap3A_744, %swap3A_745], %broadcast_in_dim3A_729 {strides = array<i32>} : memref<4x128x128xf32, #tpu.memory_space<vmem>>, vector<16xf32>,
        %swap3A_747 = arith.constant 0 : i32
        %swap3A_748 = arith.index_cast %swap3A_747 : i32 to index
        %swap3A_749 = arith.index_cast %scan3A_736 : i32 to index
        %swap3A_750 = arith.constant 32 : index
        %swap3A_751 = tpu.vector_load %arg9[%swap3A_748, %swap3A_749, %swap3A_750] {strides = array<i32>} : memref<4x128x128xf32, #tpu.memory_space<vmem>>, vector<16xf32>,
        tpu.vector_store %arg9[%swap3A_748, %swap3A_749, %swap3A_750], %broadcast_in_dim3A_729 {strides = array<i32>} : memref<4x128x128xf32, #tpu.memory_space<vmem>>, vector<16xf32>,
        %swap3A_752 = arith.constant 0 : i32
        %swap3A_753 = arith.index_cast %swap3A_752 : i32 to index
        %swap3A_754 = arith.index_cast %scan3A_736 : i32 to index
        %swap3A_755 = arith.constant 48 : index
        %swap3A_756 = tpu.vector_load %arg9[%swap3A_753, %swap3A_754, %swap3A_755] {strides = array<i32>} : memref<4x128x128xf32, #tpu.memory_space<vmem>>, vector<16xf32>,
        tpu.vector_store %arg9[%swap3A_753, %swap3A_754, %swap3A_755], %broadcast_in_dim3A_729 {strides = array<i32>} : memref<4x128x128xf32, #tpu.memory_space<vmem>>, vector<16xf32>,
        %swap3A_757 = arith.constant 0 : i32
        %swap3A_758 = arith.index_cast %swap3A_757 : i32 to index
        %swap3A_759 = arith.index_cast %scan3A_736 : i32 to index
        %swap3A_760 = arith.constant 64 : index
        %swap3A_761 = tpu.vector_load %arg9[%swap3A_758, %swap3A_759, %swap3A_760] {strides = array<i32>} : memref<4x128x128xf32, #tpu.memory_space<vmem>>, vector<16xf32>,
        tpu.vector_store %arg9[%swap3A_758, %swap3A_759, %swap3A_760], %broadcast_in_dim3A_729 {strides = array<i32>} : memref<4x128x128xf32, #tpu.memory_space<vmem>>, vector<16xf32>,
        %swap3A_762 = arith.constant 0 : i32
        %swap3A_763 = arith.index_cast %swap3A_762 : i32 to index
        %swap3A_764 = arith.index_cast %scan3A_736 : i32 to index
        %swap3A_765 = arith.constant 80 : index
        %swap3A_766 = tpu.vector_load %arg9[%swap3A_763, %swap3A_764, %swap3A_765] {strides = array<i32>} : memref<4x128x128xf32, #tpu.memory_space<vmem>>, vector<16xf32>,
        tpu.vector_store %arg9[%swap3A_763, %swap3A_764, %swap3A_765], %broadcast_in_dim3A_729 {strides = array<i32>} : memref<4x128x128xf32, #tpu.memory_space<vmem>>, vector<16xf32>,
        %swap3A_767 = arith.constant 0 : i32
        %swap3A_768 = arith.index_cast %swap3A_767 : i32 to index
        %swap3A_769 = arith.index_cast %scan3A_736 : i32 to index
        %swap3A_770 = arith.constant 96 : index
        %swap3A_771 = tpu.vector_load %arg9[%swap3A_768, %swap3A_769, %swap3A_770] {strides = array<i32>} : memref<4x128x128xf32, #tpu.memory_space<vmem>>, vector<16xf32>,
        tpu.vector_store %arg9[%swap3A_768, %swap3A_769, %swap3A_770], %broadcast_in_dim3A_729 {strides = array<i32>} : memref<4x128x128xf32, #tpu.memory_space<vmem>>, vector<16xf32>,
        %swap3A_772 = arith.constant 0 : i32
        %swap3A_773 = arith.index_cast %swap3A_772 : i32 to index
        %swap3A_774 = arith.index_cast %scan3A_736 : i32 to index
        %swap3A_775 = arith.constant 112 : index
        %swap3A_776 = tpu.vector_load %arg9[%swap3A_773, %swap3A_774, %swap3A_775] {strides = array<i32>} : memref<4x128x128xf32, #tpu.memory_space<vmem>>, vector<16xf32>,
        tpu.vector_store %arg9[%swap3A_773, %swap3A_774, %swap3A_775], %broadcast_in_dim3A_729 {strides = array<i32>} : memref<4x128x128xf32, #tpu.memory_space<vmem>>, vector<16xf32>,
        %scan3A_777 = arith.constant 0 : i32
        scf.yield %scan3A_777 : i32
      }
      %scan3A_735 = arith.constant 128 : i32
    } else {
    }
    %add3A_482 = arith.constant 0 : i32
    %add3A_483 = arith.addi %mul3A_2, %add3A_482 : i32
    %dma_start3A_484 = arith.constant 0 : i32
    %dma_start3A_485 = arith.constant 0 : i32
    %dma_start3A_486 = arith.constant 0 : i32
    %dma_start3A_487 = tpu.memref_slice %arg9[%dma_start3A_484, %dma_start3A_485, %dma_start3A_486] : memref<4x128x128xf32, #tpu.memory_space<vmem>> -> memref<1x128x128xf32, #tpu.memory_space<vmem>>
    %dma_start3A_488 = tpu.memref_squeeze %dma_start3A_487 : memref<1x128x128xf32, #tpu.memory_space<vmem>> -> memref<128x128xf32, #tpu.memory_space<vmem>>
    %dma_start3A_489 = arith.constant 0 : i32
    %dma_start3A_490 = tpu.memref_slice %arg6[%add3A_483, %dma_start3A_489] : memref<16384x128xf32, #tpu.memory_space<hbm>> -> memref<128x128xf32, #tpu.memory_space<hbm>>
    %dma_start3A_491 = arith.constant 0 : i32
    %dma_start3A_492 = tpu.memref_slice %arg6[%add3A_483, %dma_start3A_491] : memref<16384x128xf32, #tpu.memory_space<hbm>> -> memref<128x128xf32, #tpu.memory_space<hbm>>
    %dma_start3A_493 = arith.constant 0 : i32
    %dma_start3A_494 = arith.constant 0 : i32
    %dma_start3A_495 = tpu.memref_slice %arg9[%dma_start3A_484, %dma_start3A_493, %dma_start3A_494] : memref<4x128x128xf32, #tpu.memory_space<vmem>> -> memref<1x128x128xf32, #tpu.memory_space<vmem>>
    %dma_start3A_496 = tpu.memref_squeeze %dma_start3A_495 : memref<1x128x128xf32, #tpu.memory_space<vmem>> -> memref<128x128xf32, #tpu.memory_space<vmem>>
    tpu.enqueue_dma source(%dma_start3A_496 : memref<128x128xf32, #tpu.memory_space<vmem>>) target(%dma_start3A_492 : memref<128x128xf32, #tpu.memory_space<hbm>>) target_semaphore(%arg14 : memref<!tpu.dma_semaphore, #tpu.memory_space<semaphore_mem>>)
    %add3A_497 = arith.constant 0 : i32
    %add3A_498 = arith.addi %mul3A_2, %add3A_497 : i32
    %dma_start3A_499 = arith.constant 0 : i32
    %dma_start3A_500 = arith.constant 0 : i32
    %dma_start3A_501 = tpu.memref_slice %arg10[%dma_start3A_499, %dma_start3A_500] : memref<4x128xf32, #tpu.memory_space<vmem>> -> memref<1x128xf32, #tpu.memory_space<vmem>>
    %dma_start3A_502 = tpu.memref_squeeze %dma_start3A_501 : memref<1x128xf32, #tpu.memory_space<vmem>> -> memref<128xf32, #tpu.memory_space<vmem>>
    %dma_start3A_503 = tpu.memref_slice %arg7[%add3A_498] : memref<16384xf32, #tpu.memory_space<hbm>> -> memref<128xf32, #tpu.memory_space<hbm>>
    %dma_start3A_504 = tpu.memref_slice %arg7[%add3A_498] : memref<16384xf32, #tpu.memory_space<hbm>> -> memref<128xf32, #tpu.memory_space<hbm>>
    %dma_start3A_505 = arith.constant 0 : i32
    %dma_start3A_506 = tpu.memref_slice %arg10[%dma_start3A_499, %dma_start3A_505] : memref<4x128xf32, #tpu.memory_space<vmem>> -> memref<1x128xf32, #tpu.memory_space<vmem>>
    %dma_start3A_507 = tpu.memref_squeeze %dma_start3A_506 : memref<1x128xf32, #tpu.memory_space<vmem>> -> memref<128xf32, #tpu.memory_space<vmem>>
    tpu.enqueue_dma source(%dma_start3A_507 : memref<128xf32, #tpu.memory_space<vmem>>) target(%dma_start3A_504 : memref<128xf32, #tpu.memory_space<hbm>>) target_semaphore(%arg14 : memref<!tpu.dma_semaphore, #tpu.memory_space<semaphore_mem>>)
    %dma_wait3A_508 = arith.constant 1 : i32
    %dma_wait3A_509 = arith.constant 1 : i32
    %dma_wait3A_510 = arith.constant 1 : i32
    %dma_wait3A_511 = arith.constant 0 : i32
    %dma_wait3A_512 = arith.constant 0 : i32
    %dma_wait3A_513 = tpu.memref_slice %arg9[%dma_wait3A_509, %dma_wait3A_511, %dma_wait3A_512] : memref<4x128x128xf32, #tpu.memory_space<vmem>> -> memref<1x128x128xf32, #tpu.memory_space<vmem>>
    %dma_wait3A_514 = tpu.memref_squeeze %dma_wait3A_513 : memref<1x128x128xf32, #tpu.memory_space<vmem>> -> memref<128x128xf32, #tpu.memory_space<vmem>>
    %dma_wait3A_515 = arith.constant 0 : i32
    %dma_wait3A_516 = tpu.memref_slice %arg8[%dma_wait3A_508, %dma_wait3A_515] : memref<4x128xi32, #tpu.memory_space<vmem>> -> memref<1x128xi32, #tpu.memory_space<vmem>>
    %dma_wait3A_517 = tpu.memref_squeeze %dma_wait3A_516 : memref<1x128xi32, #tpu.memory_space<vmem>> -> memref<128xi32, #tpu.memory_space<vmem>>
    %dma_wait3A_518 = arith.constant 0 : i32
    %dma_wait3A_519 = arith.constant 0 : i32
    %dma_wait3A_520 = tpu.memref_slice %arg4[%dma_wait3A_518, %dma_wait3A_519] : memref<100000x128xf32, #tpu.memory_space<hbm>> -> memref<100000x128xf32, #tpu.memory_space<hbm>>
    %dma_wait3A_521 = tpu.memref_slice %arg12[%dma_wait3A_510] : memref<4x!tpu.dma_semaphore, #tpu.memory_space<semaphore_mem>> -> memref<1x!tpu.dma_semaphore, #tpu.memory_space<semaphore_mem>>
    %dma_wait3A_522 = tpu.memref_squeeze %dma_wait3A_521 : memref<1x!tpu.dma_semaphore, #tpu.memory_space<semaphore_mem>> -> memref<!tpu.dma_semaphore, #tpu.memory_space<semaphore_mem>>
    tpu.wait_indirect_dma semaphore(%dma_wait3A_522 : memref<!tpu.dma_semaphore, #tpu.memory_space<semaphore_mem>>) src(%dma_wait3A_520 : memref<100000x128xf32, #tpu.memory_space<hbm>>) dst(%dma_wait3A_514 : memref<128x128xf32, #tpu.memory_space<vmem>>)
    %convert_element_type3A_523 = arith.extui %gt3A_462 : i1 to i32
    %cond3A_524 = arith.constant 0 : i32
    %cond3A_525 = arith.cmpi ne, %convert_element_type3A_523, %cond3A_524 : i32
    scf.if %cond3A_525 {
      %broadcast_in_dim3A_728 = arith.constant 0x7FC00000 : f32
      %broadcast_in_dim3A_729 = vector.broadcast %broadcast_in_dim3A_728 : f32 to vector<16xf32>
      %scan3A = arith.constant 0 : i32
      %scan3A_730 = arith.constant 0 : i32
      %scan3A_731 = arith.constant 128 : i32
      %scan3A_732 = arith.addi %scan3A_730, %scan3A_731 : i32
      %scan3A_733 = arith.constant 1 : i32
      %scan3A_734 = scf.for %scan3A_736 = %scan3A_730 to %scan3A_732 step %scan3A_733 iter_args(%scan3A_737 = %scan3A) -> (i32)  : i32 {
        %swap3A = arith.constant 1 : i32
        %swap3A_738 = arith.index_cast %swap3A : i32 to index
        %swap3A_739 = arith.index_cast %scan3A_736 : i32 to index
        %swap3A_740 = arith.constant 0 : index
        %swap3A_741 = tpu.vector_load %arg9[%swap3A_738, %swap3A_739, %swap3A_740] {strides = array<i32>} : memref<4x128x128xf32, #tpu.memory_space<vmem>>, vector<16xf32>,
        tpu.vector_store %arg9[%swap3A_738, %swap3A_739, %swap3A_740], %broadcast_in_dim3A_729 {strides = array<i32>} : memref<4x128x128xf32, #tpu.memory_space<vmem>>, vector<16xf32>,
        %swap3A_742 = arith.constant 1 : i32
        %swap3A_743 = arith.index_cast %swap3A_742 : i32 to index
        %swap3A_744 = arith.index_cast %scan3A_736 : i32 to index
        %swap3A_745 = arith.constant 16 : index
        %swap3A_746 = tpu.vector_load %arg9[%swap3A_743, %swap3A_744, %swap3A_745] {strides = array<i32>} : memref<4x128x128xf32, #tpu.memory_space<vmem>>, vector<16xf32>,
        tpu.vector_store %arg9[%swap3A_743, %swap3A_744, %swap3A_745], %broadcast_in_dim3A_729 {strides = array<i32>} : memref<4x128x128xf32, #tpu.memory_space<vmem>>, vector<16xf32>,
        %swap3A_747 = arith.constant 1 : i32
        %swap3A_748 = arith.index_cast %swap3A_747 : i32 to index
        %swap3A_749 = arith.index_cast %scan3A_736 : i32 to index
        %swap3A_750 = arith.constant 32 : index
        %swap3A_751 = tpu.vector_load %arg9[%swap3A_748, %swap3A_749, %swap3A_750] {strides = array<i32>} : memref<4x128x128xf32, #tpu.memory_space<vmem>>, vector<16xf32>,
        tpu.vector_store %arg9[%swap3A_748, %swap3A_749, %swap3A_750], %broadcast_in_dim3A_729 {strides = array<i32>} : memref<4x128x128xf32, #tpu.memory_space<vmem>>, vector<16xf32>,
        %swap3A_752 = arith.constant 1 : i32
        %swap3A_753 = arith.index_cast %swap3A_752 : i32 to index
        %swap3A_754 = arith.index_cast %scan3A_736 : i32 to index
        %swap3A_755 = arith.constant 48 : index
        %swap3A_756 = tpu.vector_load %arg9[%swap3A_753, %swap3A_754, %swap3A_755] {strides = array<i32>} : memref<4x128x128xf32, #tpu.memory_space<vmem>>, vector<16xf32>,
        tpu.vector_store %arg9[%swap3A_753, %swap3A_754, %swap3A_755], %broadcast_in_dim3A_729 {strides = array<i32>} : memref<4x128x128xf32, #tpu.memory_space<vmem>>, vector<16xf32>,
        %swap3A_757 = arith.constant 1 : i32
        %swap3A_758 = arith.index_cast %swap3A_757 : i32 to index
        %swap3A_759 = arith.index_cast %scan3A_736 : i32 to index
        %swap3A_760 = arith.constant 64 : index
        %swap3A_761 = tpu.vector_load %arg9[%swap3A_758, %swap3A_759, %swap3A_760] {strides = array<i32>} : memref<4x128x128xf32, #tpu.memory_space<vmem>>, vector<16xf32>,
        tpu.vector_store %arg9[%swap3A_758, %swap3A_759, %swap3A_760], %broadcast_in_dim3A_729 {strides = array<i32>} : memref<4x128x128xf32, #tpu.memory_space<vmem>>, vector<16xf32>,
        %swap3A_762 = arith.constant 1 : i32
        %swap3A_763 = arith.index_cast %swap3A_762 : i32 to index
        %swap3A_764 = arith.index_cast %scan3A_736 : i32 to index
        %swap3A_765 = arith.constant 80 : index
        %swap3A_766 = tpu.vector_load %arg9[%swap3A_763, %swap3A_764, %swap3A_765] {strides = array<i32>} : memref<4x128x128xf32, #tpu.memory_space<vmem>>, vector<16xf32>,
        tpu.vector_store %arg9[%swap3A_763, %swap3A_764, %swap3A_765], %broadcast_in_dim3A_729 {strides = array<i32>} : memref<4x128x128xf32, #tpu.memory_space<vmem>>, vector<16xf32>,
        %swap3A_767 = arith.constant 1 : i32
        %swap3A_768 = arith.index_cast %swap3A_767 : i32 to index
        %swap3A_769 = arith.index_cast %scan3A_736 : i32 to index
        %swap3A_770 = arith.constant 96 : index
        %swap3A_771 = tpu.vector_load %arg9[%swap3A_768, %swap3A_769, %swap3A_770] {strides = array<i32>} : memref<4x128x128xf32, #tpu.memory_space<vmem>>, vector<16xf32>,
        tpu.vector_store %arg9[%swap3A_768, %swap3A_769, %swap3A_770], %broadcast_in_dim3A_729 {strides = array<i32>} : memref<4x128x128xf32, #tpu.memory_space<vmem>>, vector<16xf32>,
        %swap3A_772 = arith.constant 1 : i32
        %swap3A_773 = arith.index_cast %swap3A_772 : i32 to index
        %swap3A_774 = arith.index_cast %scan3A_736 : i32 to index
        %swap3A_775 = arith.constant 112 : index
        %swap3A_776 = tpu.vector_load %arg9[%swap3A_773, %swap3A_774, %swap3A_775] {strides = array<i32>} : memref<4x128x128xf32, #tpu.memory_space<vmem>>, vector<16xf32>,
        tpu.vector_store %arg9[%swap3A_773, %swap3A_774, %swap3A_775], %broadcast_in_dim3A_729 {strides = array<i32>} : memref<4x128x128xf32, #tpu.memory_space<vmem>>, vector<16xf32>,
        %scan3A_777 = arith.constant 0 : i32
        scf.yield %scan3A_777 : i32
      }
      %scan3A_735 = arith.constant 128 : i32
    } else {
    }
    %add3A_526 = arith.constant 128 : i32
    %add3A_527 = arith.addi %mul3A_2, %add3A_526 : i32
    %dma_start3A_528 = arith.constant 1 : i32
    %dma_start3A_529 = arith.constant 0 : i32
    %dma_start3A_530 = arith.constant 0 : i32
    %dma_start3A_531 = tpu.memref_slice %arg9[%dma_start3A_528, %dma_start3A_529, %dma_start3A_530] : memref<4x128x128xf32, #tpu.memory_space<vmem>> -> memref<1x128x128xf32, #tpu.memory_space<vmem>>
    %dma_start3A_532 = tpu.memref_squeeze %dma_start3A_531 : memref<1x128x128xf32, #tpu.memory_space<vmem>> -> memref<128x128xf32, #tpu.memory_space<vmem>>
    %dma_start3A_533 = arith.constant 0 : i32
    %dma_start3A_534 = tpu.memref_slice %arg6[%add3A_527, %dma_start3A_533] : memref<16384x128xf32, #tpu.memory_space<hbm>> -> memref<128x128xf32, #tpu.memory_space<hbm>>
    %dma_start3A_535 = arith.constant 0 : i32
    %dma_start3A_536 = tpu.memref_slice %arg6[%add3A_527, %dma_start3A_535] : memref<16384x128xf32, #tpu.memory_space<hbm>> -> memref<128x128xf32, #tpu.memory_space<hbm>>
    %dma_start3A_537 = arith.constant 0 : i32
    %dma_start3A_538 = arith.constant 0 : i32
    %dma_start3A_539 = tpu.memref_slice %arg9[%dma_start3A_528, %dma_start3A_537, %dma_start3A_538] : memref<4x128x128xf32, #tpu.memory_space<vmem>> -> memref<1x128x128xf32, #tpu.memory_space<vmem>>
    %dma_start3A_540 = tpu.memref_squeeze %dma_start3A_539 : memref<1x128x128xf32, #tpu.memory_space<vmem>> -> memref<128x128xf32, #tpu.memory_space<vmem>>
    tpu.enqueue_dma source(%dma_start3A_540 : memref<128x128xf32, #tpu.memory_space<vmem>>) target(%dma_start3A_536 : memref<128x128xf32, #tpu.memory_space<hbm>>) target_semaphore(%arg14 : memref<!tpu.dma_semaphore, #tpu.memory_space<semaphore_mem>>)
    %add3A_541 = arith.constant 128 : i32
    %add3A_542 = arith.addi %mul3A_2, %add3A_541 : i32
    %dma_start3A_543 = arith.constant 1 : i32
    %dma_start3A_544 = arith.constant 0 : i32
    %dma_start3A_545 = tpu.memref_slice %arg10[%dma_start3A_543, %dma_start3A_544] : memref<4x128xf32, #tpu.memory_space<vmem>> -> memref<1x128xf32, #tpu.memory_space<vmem>>
    %dma_start3A_546 = tpu.memref_squeeze %dma_start3A_545 : memref<1x128xf32, #tpu.memory_space<vmem>> -> memref<128xf32, #tpu.memory_space<vmem>>
    %dma_start3A_547 = tpu.memref_slice %arg7[%add3A_542] : memref<16384xf32, #tpu.memory_space<hbm>> -> memref<128xf32, #tpu.memory_space<hbm>>
    %dma_start3A_548 = tpu.memref_slice %arg7[%add3A_542] : memref<16384xf32, #tpu.memory_space<hbm>> -> memref<128xf32, #tpu.memory_space<hbm>>
    %dma_start3A_549 = arith.constant 0 : i32
    %dma_start3A_550 = tpu.memref_slice %arg10[%dma_start3A_543, %dma_start3A_549] : memref<4x128xf32, #tpu.memory_space<vmem>> -> memref<1x128xf32, #tpu.memory_space<vmem>>
    %dma_start3A_551 = tpu.memref_squeeze %dma_start3A_550 : memref<1x128xf32, #tpu.memory_space<vmem>> -> memref<128xf32, #tpu.memory_space<vmem>>
    tpu.enqueue_dma source(%dma_start3A_551 : memref<128xf32, #tpu.memory_space<vmem>>) target(%dma_start3A_548 : memref<128xf32, #tpu.memory_space<hbm>>) target_semaphore(%arg14 : memref<!tpu.dma_semaphore, #tpu.memory_space<semaphore_mem>>)
    %dma_wait3A_552 = arith.constant 2 : i32
    %dma_wait3A_553 = arith.constant 2 : i32
    %dma_wait3A_554 = arith.constant 2 : i32
    %dma_wait3A_555 = arith.constant 0 : i32
    %dma_wait3A_556 = arith.constant 0 : i32
    %dma_wait3A_557 = tpu.memref_slice %arg9[%dma_wait3A_553, %dma_wait3A_555, %dma_wait3A_556] : memref<4x128x128xf32, #tpu.memory_space<vmem>> -> memref<1x128x128xf32, #tpu.memory_space<vmem>>
    %dma_wait3A_558 = tpu.memref_squeeze %dma_wait3A_557 : memref<1x128x128xf32, #tpu.memory_space<vmem>> -> memref<128x128xf32, #tpu.memory_space<vmem>>
    %dma_wait3A_559 = arith.constant 0 : i32
    %dma_wait3A_560 = tpu.memref_slice %arg8[%dma_wait3A_552, %dma_wait3A_559] : memref<4x128xi32, #tpu.memory_space<vmem>> -> memref<1x128xi32, #tpu.memory_space<vmem>>
    %dma_wait3A_561 = tpu.memref_squeeze %dma_wait3A_560 : memref<1x128xi32, #tpu.memory_space<vmem>> -> memref<128xi32, #tpu.memory_space<vmem>>
    %dma_wait3A_562 = arith.constant 0 : i32
    %dma_wait3A_563 = arith.constant 0 : i32
    %dma_wait3A_564 = tpu.memref_slice %arg4[%dma_wait3A_562, %dma_wait3A_563] : memref<100000x128xf32, #tpu.memory_space<hbm>> -> memref<100000x128xf32, #tpu.memory_space<hbm>>
    %dma_wait3A_565 = tpu.memref_slice %arg12[%dma_wait3A_554] : memref<4x!tpu.dma_semaphore, #tpu.memory_space<semaphore_mem>> -> memref<1x!tpu.dma_semaphore, #tpu.memory_space<semaphore_mem>>
    %dma_wait3A_566 = tpu.memref_squeeze %dma_wait3A_565 : memref<1x!tpu.dma_semaphore, #tpu.memory_space<semaphore_mem>> -> memref<!tpu.dma_semaphore, #tpu.memory_space<semaphore_mem>>
    tpu.wait_indirect_dma semaphore(%dma_wait3A_566 : memref<!tpu.dma_semaphore, #tpu.memory_space<semaphore_mem>>) src(%dma_wait3A_564 : memref<100000x128xf32, #tpu.memory_space<hbm>>) dst(%dma_wait3A_558 : memref<128x128xf32, #tpu.memory_space<vmem>>)
    %convert_element_type3A_567 = arith.extui %gt3A_462 : i1 to i32
    %cond3A_568 = arith.constant 0 : i32
    %cond3A_569 = arith.cmpi ne, %convert_element_type3A_567, %cond3A_568 : i32
    scf.if %cond3A_569 {
      %broadcast_in_dim3A_728 = arith.constant 0x7FC00000 : f32
      %broadcast_in_dim3A_729 = vector.broadcast %broadcast_in_dim3A_728 : f32 to vector<16xf32>
      %scan3A = arith.constant 0 : i32
      %scan3A_730 = arith.constant 0 : i32
      %scan3A_731 = arith.constant 128 : i32
      %scan3A_732 = arith.addi %scan3A_730, %scan3A_731 : i32
      %scan3A_733 = arith.constant 1 : i32
      %scan3A_734 = scf.for %scan3A_736 = %scan3A_730 to %scan3A_732 step %scan3A_733 iter_args(%scan3A_737 = %scan3A) -> (i32)  : i32 {
        %swap3A = arith.constant 2 : i32
        %swap3A_738 = arith.index_cast %swap3A : i32 to index
        %swap3A_739 = arith.index_cast %scan3A_736 : i32 to index
        %swap3A_740 = arith.constant 0 : index
        %swap3A_741 = tpu.vector_load %arg9[%swap3A_738, %swap3A_739, %swap3A_740] {strides = array<i32>} : memref<4x128x128xf32, #tpu.memory_space<vmem>>, vector<16xf32>,
        tpu.vector_store %arg9[%swap3A_738, %swap3A_739, %swap3A_740], %broadcast_in_dim3A_729 {strides = array<i32>} : memref<4x128x128xf32, #tpu.memory_space<vmem>>, vector<16xf32>,
        %swap3A_742 = arith.constant 2 : i32
        %swap3A_743 = arith.index_cast %swap3A_742 : i32 to index
        %swap3A_744 = arith.index_cast %scan3A_736 : i32 to index
        %swap3A_745 = arith.constant 16 : index
        %swap3A_746 = tpu.vector_load %arg9[%swap3A_743, %swap3A_744, %swap3A_745] {strides = array<i32>} : memref<4x128x128xf32, #tpu.memory_space<vmem>>, vector<16xf32>,
        tpu.vector_store %arg9[%swap3A_743, %swap3A_744, %swap3A_745], %broadcast_in_dim3A_729 {strides = array<i32>} : memref<4x128x128xf32, #tpu.memory_space<vmem>>, vector<16xf32>,
        %swap3A_747 = arith.constant 2 : i32
        %swap3A_748 = arith.index_cast %swap3A_747 : i32 to index
        %swap3A_749 = arith.index_cast %scan3A_736 : i32 to index
        %swap3A_750 = arith.constant 32 : index
        %swap3A_751 = tpu.vector_load %arg9[%swap3A_748, %swap3A_749, %swap3A_750] {strides = array<i32>} : memref<4x128x128xf32, #tpu.memory_space<vmem>>, vector<16xf32>,
        tpu.vector_store %arg9[%swap3A_748, %swap3A_749, %swap3A_750], %broadcast_in_dim3A_729 {strides = array<i32>} : memref<4x128x128xf32, #tpu.memory_space<vmem>>, vector<16xf32>,
        %swap3A_752 = arith.constant 2 : i32
        %swap3A_753 = arith.index_cast %swap3A_752 : i32 to index
        %swap3A_754 = arith.index_cast %scan3A_736 : i32 to index
        %swap3A_755 = arith.constant 48 : index
        %swap3A_756 = tpu.vector_load %arg9[%swap3A_753, %swap3A_754, %swap3A_755] {strides = array<i32>} : memref<4x128x128xf32, #tpu.memory_space<vmem>>, vector<16xf32>,
        tpu.vector_store %arg9[%swap3A_753, %swap3A_754, %swap3A_755], %broadcast_in_dim3A_729 {strides = array<i32>} : memref<4x128x128xf32, #tpu.memory_space<vmem>>, vector<16xf32>,
        %swap3A_757 = arith.constant 2 : i32
        %swap3A_758 = arith.index_cast %swap3A_757 : i32 to index
        %swap3A_759 = arith.index_cast %scan3A_736 : i32 to index
        %swap3A_760 = arith.constant 64 : index
        %swap3A_761 = tpu.vector_load %arg9[%swap3A_758, %swap3A_759, %swap3A_760] {strides = array<i32>} : memref<4x128x128xf32, #tpu.memory_space<vmem>>, vector<16xf32>,
        tpu.vector_store %arg9[%swap3A_758, %swap3A_759, %swap3A_760], %broadcast_in_dim3A_729 {strides = array<i32>} : memref<4x128x128xf32, #tpu.memory_space<vmem>>, vector<16xf32>,
        %swap3A_762 = arith.constant 2 : i32
        %swap3A_763 = arith.index_cast %swap3A_762 : i32 to index
        %swap3A_764 = arith.index_cast %scan3A_736 : i32 to index
        %swap3A_765 = arith.constant 80 : index
        %swap3A_766 = tpu.vector_load %arg9[%swap3A_763, %swap3A_764, %swap3A_765] {strides = array<i32>} : memref<4x128x128xf32, #tpu.memory_space<vmem>>, vector<16xf32>,
        tpu.vector_store %arg9[%swap3A_763, %swap3A_764, %swap3A_765], %broadcast_in_dim3A_729 {strides = array<i32>} : memref<4x128x128xf32, #tpu.memory_space<vmem>>, vector<16xf32>,
        %swap3A_767 = arith.constant 2 : i32
        %swap3A_768 = arith.index_cast %swap3A_767 : i32 to index
        %swap3A_769 = arith.index_cast %scan3A_736 : i32 to index
        %swap3A_770 = arith.constant 96 : index
        %swap3A_771 = tpu.vector_load %arg9[%swap3A_768, %swap3A_769, %swap3A_770] {strides = array<i32>} : memref<4x128x128xf32, #tpu.memory_space<vmem>>, vector<16xf32>,
        tpu.vector_store %arg9[%swap3A_768, %swap3A_769, %swap3A_770], %broadcast_in_dim3A_729 {strides = array<i32>} : memref<4x128x128xf32, #tpu.memory_space<vmem>>, vector<16xf32>,
        %swap3A_772 = arith.constant 2 : i32
        %swap3A_773 = arith.index_cast %swap3A_772 : i32 to index
        %swap3A_774 = arith.index_cast %scan3A_736 : i32 to index
        %swap3A_775 = arith.constant 112 : index
        %swap3A_776 = tpu.vector_load %arg9[%swap3A_773, %swap3A_774, %swap3A_775] {strides = array<i32>} : memref<4x128x128xf32, #tpu.memory_space<vmem>>, vector<16xf32>,
        tpu.vector_store %arg9[%swap3A_773, %swap3A_774, %swap3A_775], %broadcast_in_dim3A_729 {strides = array<i32>} : memref<4x128x128xf32, #tpu.memory_space<vmem>>, vector<16xf32>,
        %scan3A_777 = arith.constant 0 : i32
        scf.yield %scan3A_777 : i32
      }
      %scan3A_735 = arith.constant 128 : i32
    } else {
    }
    %add3A_570 = arith.constant 256 : i32
    %add3A_571 = arith.addi %mul3A_2, %add3A_570 : i32
    %dma_start3A_572 = arith.constant 2 : i32
    %dma_start3A_573 = arith.constant 0 : i32
    %dma_start3A_574 = arith.constant 0 : i32
    %dma_start3A_575 = tpu.memref_slice %arg9[%dma_start3A_572, %dma_start3A_573, %dma_start3A_574] : memref<4x128x128xf32, #tpu.memory_space<vmem>> -> memref<1x128x128xf32, #tpu.memory_space<vmem>>
    %dma_start3A_576 = tpu.memref_squeeze %dma_start3A_575 : memref<1x128x128xf32, #tpu.memory_space<vmem>> -> memref<128x128xf32, #tpu.memory_space<vmem>>
    %dma_start3A_577 = arith.constant 0 : i32
    %dma_start3A_578 = tpu.memref_slice %arg6[%add3A_571, %dma_start3A_577] : memref<16384x128xf32, #tpu.memory_space<hbm>> -> memref<128x128xf32, #tpu.memory_space<hbm>>
    %dma_start3A_579 = arith.constant 0 : i32
    %dma_start3A_580 = tpu.memref_slice %arg6[%add3A_571, %dma_start3A_579] : memref<16384x128xf32, #tpu.memory_space<hbm>> -> memref<128x128xf32, #tpu.memory_space<hbm>>
    %dma_start3A_581 = arith.constant 0 : i32
    %dma_start3A_582 = arith.constant 0 : i32
    %dma_start3A_583 = tpu.memref_slice %arg9[%dma_start3A_572, %dma_start3A_581, %dma_start3A_582] : memref<4x128x128xf32, #tpu.memory_space<vmem>> -> memref<1x128x128xf32, #tpu.memory_space<vmem>>
    %dma_start3A_584 = tpu.memref_squeeze %dma_start3A_583 : memref<1x128x128xf32, #tpu.memory_space<vmem>> -> memref<128x128xf32, #tpu.memory_space<vmem>>
    tpu.enqueue_dma source(%dma_start3A_584 : memref<128x128xf32, #tpu.memory_space<vmem>>) target(%dma_start3A_580 : memref<128x128xf32, #tpu.memory_space<hbm>>) target_semaphore(%arg14 : memref<!tpu.dma_semaphore, #tpu.memory_space<semaphore_mem>>)
    %add3A_585 = arith.constant 256 : i32
    %add3A_586 = arith.addi %mul3A_2, %add3A_585 : i32
    %dma_start3A_587 = arith.constant 2 : i32
    %dma_start3A_588 = arith.constant 0 : i32
    %dma_start3A_589 = tpu.memref_slice %arg10[%dma_start3A_587, %dma_start3A_588] : memref<4x128xf32, #tpu.memory_space<vmem>> -> memref<1x128xf32, #tpu.memory_space<vmem>>
    %dma_start3A_590 = tpu.memref_squeeze %dma_start3A_589 : memref<1x128xf32, #tpu.memory_space<vmem>> -> memref<128xf32, #tpu.memory_space<vmem>>
    %dma_start3A_591 = tpu.memref_slice %arg7[%add3A_586] : memref<16384xf32, #tpu.memory_space<hbm>> -> memref<128xf32, #tpu.memory_space<hbm>>
    %dma_start3A_592 = tpu.memref_slice %arg7[%add3A_586] : memref<16384xf32, #tpu.memory_space<hbm>> -> memref<128xf32, #tpu.memory_space<hbm>>
    %dma_start3A_593 = arith.constant 0 : i32
    %dma_start3A_594 = tpu.memref_slice %arg10[%dma_start3A_587, %dma_start3A_593] : memref<4x128xf32, #tpu.memory_space<vmem>> -> memref<1x128xf32, #tpu.memory_space<vmem>>
    %dma_start3A_595 = tpu.memref_squeeze %dma_start3A_594 : memref<1x128xf32, #tpu.memory_space<vmem>> -> memref<128xf32, #tpu.memory_space<vmem>>
    tpu.enqueue_dma source(%dma_start3A_595 : memref<128xf32, #tpu.memory_space<vmem>>) target(%dma_start3A_592 : memref<128xf32, #tpu.memory_space<hbm>>) target_semaphore(%arg14 : memref<!tpu.dma_semaphore, #tpu.memory_space<semaphore_mem>>)
    %dma_wait3A_596 = arith.constant 3 : i32
    %dma_wait3A_597 = arith.constant 3 : i32
    %dma_wait3A_598 = arith.constant 3 : i32
    %dma_wait3A_599 = arith.constant 0 : i32
    %dma_wait3A_600 = arith.constant 0 : i32
    %dma_wait3A_601 = tpu.memref_slice %arg9[%dma_wait3A_597, %dma_wait3A_599, %dma_wait3A_600] : memref<4x128x128xf32, #tpu.memory_space<vmem>> -> memref<1x128x128xf32, #tpu.memory_space<vmem>>
    %dma_wait3A_602 = tpu.memref_squeeze %dma_wait3A_601 : memref<1x128x128xf32, #tpu.memory_space<vmem>> -> memref<128x128xf32, #tpu.memory_space<vmem>>
    %dma_wait3A_603 = arith.constant 0 : i32
    %dma_wait3A_604 = tpu.memref_slice %arg8[%dma_wait3A_596, %dma_wait3A_603] : memref<4x128xi32, #tpu.memory_space<vmem>> -> memref<1x128xi32, #tpu.memory_space<vmem>>
    %dma_wait3A_605 = tpu.memref_squeeze %dma_wait3A_604 : memref<1x128xi32, #tpu.memory_space<vmem>> -> memref<128xi32, #tpu.memory_space<vmem>>
    %dma_wait3A_606 = arith.constant 0 : i32
    %dma_wait3A_607 = arith.constant 0 : i32
    %dma_wait3A_608 = tpu.memref_slice %arg4[%dma_wait3A_606, %dma_wait3A_607] : memref<100000x128xf32, #tpu.memory_space<hbm>> -> memref<100000x128xf32, #tpu.memory_space<hbm>>
    %dma_wait3A_609 = tpu.memref_slice %arg12[%dma_wait3A_598] : memref<4x!tpu.dma_semaphore, #tpu.memory_space<semaphore_mem>> -> memref<1x!tpu.dma_semaphore, #tpu.memory_space<semaphore_mem>>
    %dma_wait3A_610 = tpu.memref_squeeze %dma_wait3A_609 : memref<1x!tpu.dma_semaphore, #tpu.memory_space<semaphore_mem>> -> memref<!tpu.dma_semaphore, #tpu.memory_space<semaphore_mem>>
    tpu.wait_indirect_dma semaphore(%dma_wait3A_610 : memref<!tpu.dma_semaphore, #tpu.memory_space<semaphore_mem>>) src(%dma_wait3A_608 : memref<100000x128xf32, #tpu.memory_space<hbm>>) dst(%dma_wait3A_602 : memref<128x128xf32, #tpu.memory_space<vmem>>)
    %convert_element_type3A_611 = arith.extui %gt3A_462 : i1 to i32
    %cond3A_612 = arith.constant 0 : i32
    %cond3A_613 = arith.cmpi ne, %convert_element_type3A_611, %cond3A_612 : i32
    scf.if %cond3A_613 {
      %broadcast_in_dim3A_728 = arith.constant 0x7FC00000 : f32
      %broadcast_in_dim3A_729 = vector.broadcast %broadcast_in_dim3A_728 : f32 to vector<16xf32>
      %scan3A = arith.constant 0 : i32
      %scan3A_730 = arith.constant 0 : i32
      %scan3A_731 = arith.constant 128 : i32
      %scan3A_732 = arith.addi %scan3A_730, %scan3A_731 : i32
      %scan3A_733 = arith.constant 1 : i32
      %scan3A_734 = scf.for %scan3A_736 = %scan3A_730 to %scan3A_732 step %scan3A_733 iter_args(%scan3A_737 = %scan3A) -> (i32)  : i32 {
        %swap3A = arith.constant 3 : i32
        %swap3A_738 = arith.index_cast %swap3A : i32 to index
        %swap3A_739 = arith.index_cast %scan3A_736 : i32 to index
        %swap3A_740 = arith.constant 0 : index
        %swap3A_741 = tpu.vector_load %arg9[%swap3A_738, %swap3A_739, %swap3A_740] {strides = array<i32>} : memref<4x128x128xf32, #tpu.memory_space<vmem>>, vector<16xf32>,
        tpu.vector_store %arg9[%swap3A_738, %swap3A_739, %swap3A_740], %broadcast_in_dim3A_729 {strides = array<i32>} : memref<4x128x128xf32, #tpu.memory_space<vmem>>, vector<16xf32>,
        %swap3A_742 = arith.constant 3 : i32
        %swap3A_743 = arith.index_cast %swap3A_742 : i32 to index
        %swap3A_744 = arith.index_cast %scan3A_736 : i32 to index
        %swap3A_745 = arith.constant 16 : index
        %swap3A_746 = tpu.vector_load %arg9[%swap3A_743, %swap3A_744, %swap3A_745] {strides = array<i32>} : memref<4x128x128xf32, #tpu.memory_space<vmem>>, vector<16xf32>,
        tpu.vector_store %arg9[%swap3A_743, %swap3A_744, %swap3A_745], %broadcast_in_dim3A_729 {strides = array<i32>} : memref<4x128x128xf32, #tpu.memory_space<vmem>>, vector<16xf32>,
        %swap3A_747 = arith.constant 3 : i32
        %swap3A_748 = arith.index_cast %swap3A_747 : i32 to index
        %swap3A_749 = arith.index_cast %scan3A_736 : i32 to index
        %swap3A_750 = arith.constant 32 : index
        %swap3A_751 = tpu.vector_load %arg9[%swap3A_748, %swap3A_749, %swap3A_750] {strides = array<i32>} : memref<4x128x128xf32, #tpu.memory_space<vmem>>, vector<16xf32>,
        tpu.vector_store %arg9[%swap3A_748, %swap3A_749, %swap3A_750], %broadcast_in_dim3A_729 {strides = array<i32>} : memref<4x128x128xf32, #tpu.memory_space<vmem>>, vector<16xf32>,
        %swap3A_752 = arith.constant 3 : i32
        %swap3A_753 = arith.index_cast %swap3A_752 : i32 to index
        %swap3A_754 = arith.index_cast %scan3A_736 : i32 to index
        %swap3A_755 = arith.constant 48 : index
        %swap3A_756 = tpu.vector_load %arg9[%swap3A_753, %swap3A_754, %swap3A_755] {strides = array<i32>} : memref<4x128x128xf32, #tpu.memory_space<vmem>>, vector<16xf32>,
        tpu.vector_store %arg9[%swap3A_753, %swap3A_754, %swap3A_755], %broadcast_in_dim3A_729 {strides = array<i32>} : memref<4x128x128xf32, #tpu.memory_space<vmem>>, vector<16xf32>,
        %swap3A_757 = arith.constant 3 : i32
        %swap3A_758 = arith.index_cast %swap3A_757 : i32 to index
        %swap3A_759 = arith.index_cast %scan3A_736 : i32 to index
        %swap3A_760 = arith.constant 64 : index
        %swap3A_761 = tpu.vector_load %arg9[%swap3A_758, %swap3A_759, %swap3A_760] {strides = array<i32>} : memref<4x128x128xf32, #tpu.memory_space<vmem>>, vector<16xf32>,
        tpu.vector_store %arg9[%swap3A_758, %swap3A_759, %swap3A_760], %broadcast_in_dim3A_729 {strides = array<i32>} : memref<4x128x128xf32, #tpu.memory_space<vmem>>, vector<16xf32>,
        %swap3A_762 = arith.constant 3 : i32
        %swap3A_763 = arith.index_cast %swap3A_762 : i32 to index
        %swap3A_764 = arith.index_cast %scan3A_736 : i32 to index
        %swap3A_765 = arith.constant 80 : index
        %swap3A_766 = tpu.vector_load %arg9[%swap3A_763, %swap3A_764, %swap3A_765] {strides = array<i32>} : memref<4x128x128xf32, #tpu.memory_space<vmem>>, vector<16xf32>,
        tpu.vector_store %arg9[%swap3A_763, %swap3A_764, %swap3A_765], %broadcast_in_dim3A_729 {strides = array<i32>} : memref<4x128x128xf32, #tpu.memory_space<vmem>>, vector<16xf32>,
        %swap3A_767 = arith.constant 3 : i32
        %swap3A_768 = arith.index_cast %swap3A_767 : i32 to index
        %swap3A_769 = arith.index_cast %scan3A_736 : i32 to index
        %swap3A_770 = arith.constant 96 : index
        %swap3A_771 = tpu.vector_load %arg9[%swap3A_768, %swap3A_769, %swap3A_770] {strides = array<i32>} : memref<4x128x128xf32, #tpu.memory_space<vmem>>, vector<16xf32>,
        tpu.vector_store %arg9[%swap3A_768, %swap3A_769, %swap3A_770], %broadcast_in_dim3A_729 {strides = array<i32>} : memref<4x128x128xf32, #tpu.memory_space<vmem>>, vector<16xf32>,
        %swap3A_772 = arith.constant 3 : i32
        %swap3A_773 = arith.index_cast %swap3A_772 : i32 to index
        %swap3A_774 = arith.index_cast %scan3A_736 : i32 to index
        %swap3A_775 = arith.constant 112 : index
        %swap3A_776 = tpu.vector_load %arg9[%swap3A_773, %swap3A_774, %swap3A_775] {strides = array<i32>} : memref<4x128x128xf32, #tpu.memory_space<vmem>>, vector<16xf32>,
        tpu.vector_store %arg9[%swap3A_773, %swap3A_774, %swap3A_775], %broadcast_in_dim3A_729 {strides = array<i32>} : memref<4x128x128xf32, #tpu.memory_space<vmem>>, vector<16xf32>,
        %scan3A_777 = arith.constant 0 : i32
        scf.yield %scan3A_777 : i32
      }
      %scan3A_735 = arith.constant 128 : i32
    } else {
    }
    %add3A_614 = arith.constant 384 : i32
    %add3A_615 = arith.addi %mul3A_2, %add3A_614 : i32
    %dma_start3A_616 = arith.constant 3 : i32
    %dma_start3A_617 = arith.constant 0 : i32
    %dma_start3A_618 = arith.constant 0 : i32
    %dma_start3A_619 = tpu.memref_slice %arg9[%dma_start3A_616, %dma_start3A_617, %dma_start3A_618] : memref<4x128x128xf32, #tpu.memory_space<vmem>> -> memref<1x128x128xf32, #tpu.memory_space<vmem>>
    %dma_start3A_620 = tpu.memref_squeeze %dma_start3A_619 : memref<1x128x128xf32, #tpu.memory_space<vmem>> -> memref<128x128xf32, #tpu.memory_space<vmem>>
    %dma_start3A_621 = arith.constant 0 : i32
    %dma_start3A_622 = tpu.memref_slice %arg6[%add3A_615, %dma_start3A_621] : memref<16384x128xf32, #tpu.memory_space<hbm>> -> memref<128x128xf32, #tpu.memory_space<hbm>>
    %dma_start3A_623 = arith.constant 0 : i32
    %dma_start3A_624 = tpu.memref_slice %arg6[%add3A_615, %dma_start3A_623] : memref<16384x128xf32, #tpu.memory_space<hbm>> -> memref<128x128xf32, #tpu.memory_space<hbm>>
    %dma_start3A_625 = arith.constant 0 : i32
    %dma_start3A_626 = arith.constant 0 : i32
    %dma_start3A_627 = tpu.memref_slice %arg9[%dma_start3A_616, %dma_start3A_625, %dma_start3A_626] : memref<4x128x128xf32, #tpu.memory_space<vmem>> -> memref<1x128x128xf32, #tpu.memory_space<vmem>>
    %dma_start3A_628 = tpu.memref_squeeze %dma_start3A_627 : memref<1x128x128xf32, #tpu.memory_space<vmem>> -> memref<128x128xf32, #tpu.memory_space<vmem>>
    tpu.enqueue_dma source(%dma_start3A_628 : memref<128x128xf32, #tpu.memory_space<vmem>>) target(%dma_start3A_624 : memref<128x128xf32, #tpu.memory_space<hbm>>) target_semaphore(%arg14 : memref<!tpu.dma_semaphore, #tpu.memory_space<semaphore_mem>>)
    %add3A_629 = arith.constant 384 : i32
    %add3A_630 = arith.addi %mul3A_2, %add3A_629 : i32
    %dma_start3A_631 = arith.constant 3 : i32
    %dma_start3A_632 = arith.constant 0 : i32
    %dma_start3A_633 = tpu.memref_slice %arg10[%dma_start3A_631, %dma_start3A_632] : memref<4x128xf32, #tpu.memory_space<vmem>> -> memref<1x128xf32, #tpu.memory_space<vmem>>
    %dma_start3A_634 = tpu.memref_squeeze %dma_start3A_633 : memref<1x128xf32, #tpu.memory_space<vmem>> -> memref<128xf32, #tpu.memory_space<vmem>>
    %dma_start3A_635 = tpu.memref_slice %arg7[%add3A_630] : memref<16384xf32, #tpu.memory_space<hbm>> -> memref<128xf32, #tpu.memory_space<hbm>>
    %dma_start3A_636 = tpu.memref_slice %arg7[%add3A_630] : memref<16384xf32, #tpu.memory_space<hbm>> -> memref<128xf32, #tpu.memory_space<hbm>>
    %dma_start3A_637 = arith.constant 0 : i32
    %dma_start3A_638 = tpu.memref_slice %arg10[%dma_start3A_631, %dma_start3A_637] : memref<4x128xf32, #tpu.memory_space<vmem>> -> memref<1x128xf32, #tpu.memory_space<vmem>>
    %dma_start3A_639 = tpu.memref_squeeze %dma_start3A_638 : memref<1x128xf32, #tpu.memory_space<vmem>> -> memref<128xf32, #tpu.memory_space<vmem>>
    tpu.enqueue_dma source(%dma_start3A_639 : memref<128xf32, #tpu.memory_space<vmem>>) target(%dma_start3A_636 : memref<128xf32, #tpu.memory_space<hbm>>) target_semaphore(%arg14 : memref<!tpu.dma_semaphore, #tpu.memory_space<semaphore_mem>>)
    %dma_wait3A_640 = arith.constant 0 : i32
    %dma_wait3A_641 = arith.constant 0 : i32
    %dma_wait3A_642 = arith.constant 0 : i32
    %dma_wait3A_643 = tpu.memref_slice %arg9[%dma_wait3A_640, %dma_wait3A_641, %dma_wait3A_642] : memref<4x128x128xf32, #tpu.memory_space<vmem>> -> memref<1x128x128xf32, #tpu.memory_space<vmem>>
    %dma_wait3A_644 = tpu.memref_squeeze %dma_wait3A_643 : memref<1x128x128xf32, #tpu.memory_space<vmem>> -> memref<128x128xf32, #tpu.memory_space<vmem>>
    %dma_wait3A_645 = arith.constant 0 : i32
    %dma_wait3A_646 = tpu.memref_slice %arg6[%add3A_483, %dma_wait3A_645] : memref<16384x128xf32, #tpu.memory_space<hbm>> -> memref<128x128xf32, #tpu.memory_space<hbm>>
    %dma_wait3A_647 = arith.constant 0 : i32
    %dma_wait3A_648 = tpu.memref_slice %arg6[%add3A_483, %dma_wait3A_647] : memref<16384x128xf32, #tpu.memory_space<hbm>> -> memref<128x128xf32, #tpu.memory_space<hbm>>
    %dma_wait3A_649 = arith.constant 0 : i32
    %dma_wait3A_650 = arith.constant 0 : i32
    %dma_wait3A_651 = tpu.memref_slice %arg9[%dma_wait3A_640, %dma_wait3A_649, %dma_wait3A_650] : memref<4x128x128xf32, #tpu.memory_space<vmem>> -> memref<1x128x128xf32, #tpu.memory_space<vmem>>
    %dma_wait3A_652 = tpu.memref_squeeze %dma_wait3A_651 : memref<1x128x128xf32, #tpu.memory_space<vmem>> -> memref<128x128xf32, #tpu.memory_space<vmem>>
    tpu.wait_dma2 semaphore(%arg14 : memref<!tpu.dma_semaphore, #tpu.memory_space<semaphore_mem>>) src(%dma_wait3A_652 : memref<128x128xf32, #tpu.memory_space<vmem>>) dst(%dma_wait3A_648 : memref<128x128xf32, #tpu.memory_space<hbm>>)
    %dma_wait3A_653 = arith.constant 0 : i32
    %dma_wait3A_654 = arith.constant 0 : i32
    %dma_wait3A_655 = tpu.memref_slice %arg10[%dma_wait3A_653, %dma_wait3A_654] : memref<4x128xf32, #tpu.memory_space<vmem>> -> memref<1x128xf32, #tpu.memory_space<vmem>>
    %dma_wait3A_656 = tpu.memref_squeeze %dma_wait3A_655 : memref<1x128xf32, #tpu.memory_space<vmem>> -> memref<128xf32, #tpu.memory_space<vmem>>
    %dma_wait3A_657 = tpu.memref_slice %arg7[%add3A_498] : memref<16384xf32, #tpu.memory_space<hbm>> -> memref<128xf32, #tpu.memory_space<hbm>>
    %dma_wait3A_658 = tpu.memref_slice %arg7[%add3A_498] : memref<16384xf32, #tpu.memory_space<hbm>> -> memref<128xf32, #tpu.memory_space<hbm>>
    %dma_wait3A_659 = arith.constant 0 : i32
    %dma_wait3A_660 = tpu.memref_slice %arg10[%dma_wait3A_653, %dma_wait3A_659] : memref<4x128xf32, #tpu.memory_space<vmem>> -> memref<1x128xf32, #tpu.memory_space<vmem>>
    %dma_wait3A_661 = tpu.memref_squeeze %dma_wait3A_660 : memref<1x128xf32, #tpu.memory_space<vmem>> -> memref<128xf32, #tpu.memory_space<vmem>>
    tpu.wait_dma2 semaphore(%arg14 : memref<!tpu.dma_semaphore, #tpu.memory_space<semaphore_mem>>) src(%dma_wait3A_661 : memref<128xf32, #tpu.memory_space<vmem>>) dst(%dma_wait3A_658 : memref<128xf32, #tpu.memory_space<hbm>>)
    %dma_wait3A_662 = arith.constant 1 : i32
    %dma_wait3A_663 = arith.constant 0 : i32
    %dma_wait3A_664 = arith.constant 0 : i32
    %dma_wait3A_665 = tpu.memref_slice %arg9[%dma_wait3A_662, %dma_wait3A_663, %dma_wait3A_664] : memref<4x128x128xf32, #tpu.memory_space<vmem>> -> memref<1x128x128xf32, #tpu.memory_space<vmem>>
    %dma_wait3A_666 = tpu.memref_squeeze %dma_wait3A_665 : memref<1x128x128xf32, #tpu.memory_space<vmem>> -> memref<128x128xf32, #tpu.memory_space<vmem>>
    %dma_wait3A_667 = arith.constant 0 : i32
    %dma_wait3A_668 = tpu.memref_slice %arg6[%add3A_527, %dma_wait3A_667] : memref<16384x128xf32, #tpu.memory_space<hbm>> -> memref<128x128xf32, #tpu.memory_space<hbm>>
    %dma_wait3A_669 = arith.constant 0 : i32
    %dma_wait3A_670 = tpu.memref_slice %arg6[%add3A_527, %dma_wait3A_669] : memref<16384x128xf32, #tpu.memory_space<hbm>> -> memref<128x128xf32, #tpu.memory_space<hbm>>
    %dma_wait3A_671 = arith.constant 0 : i32
    %dma_wait3A_672 = arith.constant 0 : i32
    %dma_wait3A_673 = tpu.memref_slice %arg9[%dma_wait3A_662, %dma_wait3A_671, %dma_wait3A_672] : memref<4x128x128xf32, #tpu.memory_space<vmem>> -> memref<1x128x128xf32, #tpu.memory_space<vmem>>
    %dma_wait3A_674 = tpu.memref_squeeze %dma_wait3A_673 : memref<1x128x128xf32, #tpu.memory_space<vmem>> -> memref<128x128xf32, #tpu.memory_space<vmem>>
    tpu.wait_dma2 semaphore(%arg14 : memref<!tpu.dma_semaphore, #tpu.memory_space<semaphore_mem>>) src(%dma_wait3A_674 : memref<128x128xf32, #tpu.memory_space<vmem>>) dst(%dma_wait3A_670 : memref<128x128xf32, #tpu.memory_space<hbm>>)
    %dma_wait3A_675 = arith.constant 1 : i32
    %dma_wait3A_676 = arith.constant 0 : i32
    %dma_wait3A_677 = tpu.memref_slice %arg10[%dma_wait3A_675, %dma_wait3A_676] : memref<4x128xf32, #tpu.memory_space<vmem>> -> memref<1x128xf32, #tpu.memory_space<vmem>>
    %dma_wait3A_678 = tpu.memref_squeeze %dma_wait3A_677 : memref<1x128xf32, #tpu.memory_space<vmem>> -> memref<128xf32, #tpu.memory_space<vmem>>
    %dma_wait3A_679 = tpu.memref_slice %arg7[%add3A_542] : memref<16384xf32, #tpu.memory_space<hbm>> -> memref<128xf32, #tpu.memory_space<hbm>>
    %dma_wait3A_680 = tpu.memref_slice %arg7[%add3A_542] : memref<16384xf32, #tpu.memory_space<hbm>> -> memref<128xf32, #tpu.memory_space<hbm>>
    %dma_wait3A_681 = arith.constant 0 : i32
    %dma_wait3A_682 = tpu.memref_slice %arg10[%dma_wait3A_675, %dma_wait3A_681] : memref<4x128xf32, #tpu.memory_space<vmem>> -> memref<1x128xf32, #tpu.memory_space<vmem>>
    %dma_wait3A_683 = tpu.memref_squeeze %dma_wait3A_682 : memref<1x128xf32, #tpu.memory_space<vmem>> -> memref<128xf32, #tpu.memory_space<vmem>>
    tpu.wait_dma2 semaphore(%arg14 : memref<!tpu.dma_semaphore, #tpu.memory_space<semaphore_mem>>) src(%dma_wait3A_683 : memref<128xf32, #tpu.memory_space<vmem>>) dst(%dma_wait3A_680 : memref<128xf32, #tpu.memory_space<hbm>>)
    %dma_wait3A_684 = arith.constant 2 : i32
    %dma_wait3A_685 = arith.constant 0 : i32
    %dma_wait3A_686 = arith.constant 0 : i32
    %dma_wait3A_687 = tpu.memref_slice %arg9[%dma_wait3A_684, %dma_wait3A_685, %dma_wait3A_686] : memref<4x128x128xf32, #tpu.memory_space<vmem>> -> memref<1x128x128xf32, #tpu.memory_space<vmem>>
    %dma_wait3A_688 = tpu.memref_squeeze %dma_wait3A_687 : memref<1x128x128xf32, #tpu.memory_space<vmem>> -> memref<128x128xf32, #tpu.memory_space<vmem>>
    %dma_wait3A_689 = arith.constant 0 : i32
    %dma_wait3A_690 = tpu.memref_slice %arg6[%add3A_571, %dma_wait3A_689] : memref<16384x128xf32, #tpu.memory_space<hbm>> -> memref<128x128xf32, #tpu.memory_space<hbm>>
    %dma_wait3A_691 = arith.constant 0 : i32
    %dma_wait3A_692 = tpu.memref_slice %arg6[%add3A_571, %dma_wait3A_691] : memref<16384x128xf32, #tpu.memory_space<hbm>> -> memref<128x128xf32, #tpu.memory_space<hbm>>
    %dma_wait3A_693 = arith.constant 0 : i32
    %dma_wait3A_694 = arith.constant 0 : i32
    %dma_wait3A_695 = tpu.memref_slice %arg9[%dma_wait3A_684, %dma_wait3A_693, %dma_wait3A_694] : memref<4x128x128xf32, #tpu.memory_space<vmem>> -> memref<1x128x128xf32, #tpu.memory_space<vmem>>
    %dma_wait3A_696 = tpu.memref_squeeze %dma_wait3A_695 : memref<1x128x128xf32, #tpu.memory_space<vmem>> -> memref<128x128xf32, #tpu.memory_space<vmem>>
    tpu.wait_dma2 semaphore(%arg14 : memref<!tpu.dma_semaphore, #tpu.memory_space<semaphore_mem>>) src(%dma_wait3A_696 : memref<128x128xf32, #tpu.memory_space<vmem>>) dst(%dma_wait3A_692 : memref<128x128xf32, #tpu.memory_space<hbm>>)
    %dma_wait3A_697 = arith.constant 2 : i32
    %dma_wait3A_698 = arith.constant 0 : i32
    %dma_wait3A_699 = tpu.memref_slice %arg10[%dma_wait3A_697, %dma_wait3A_698] : memref<4x128xf32, #tpu.memory_space<vmem>> -> memref<1x128xf32, #tpu.memory_space<vmem>>
    %dma_wait3A_700 = tpu.memref_squeeze %dma_wait3A_699 : memref<1x128xf32, #tpu.memory_space<vmem>> -> memref<128xf32, #tpu.memory_space<vmem>>
    %dma_wait3A_701 = tpu.memref_slice %arg7[%add3A_586] : memref<16384xf32, #tpu.memory_space<hbm>> -> memref<128xf32, #tpu.memory_space<hbm>>
    %dma_wait3A_702 = tpu.memref_slice %arg7[%add3A_586] : memref<16384xf32, #tpu.memory_space<hbm>> -> memref<128xf32, #tpu.memory_space<hbm>>
    %dma_wait3A_703 = arith.constant 0 : i32
    %dma_wait3A_704 = tpu.memref_slice %arg10[%dma_wait3A_697, %dma_wait3A_703] : memref<4x128xf32, #tpu.memory_space<vmem>> -> memref<1x128xf32, #tpu.memory_space<vmem>>
    %dma_wait3A_705 = tpu.memref_squeeze %dma_wait3A_704 : memref<1x128xf32, #tpu.memory_space<vmem>> -> memref<128xf32, #tpu.memory_space<vmem>>
    tpu.wait_dma2 semaphore(%arg14 : memref<!tpu.dma_semaphore, #tpu.memory_space<semaphore_mem>>) src(%dma_wait3A_705 : memref<128xf32, #tpu.memory_space<vmem>>) dst(%dma_wait3A_702 : memref<128xf32, #tpu.memory_space<hbm>>)
    %dma_wait3A_706 = arith.constant 3 : i32
    %dma_wait3A_707 = arith.constant 0 : i32
    %dma_wait3A_708 = arith.constant 0 : i32
    %dma_wait3A_709 = tpu.memref_slice %arg9[%dma_wait3A_706, %dma_wait3A_707, %dma_wait3A_708] : memref<4x128x128xf32, #tpu.memory_space<vmem>> -> memref<1x128x128xf32, #tpu.memory_space<vmem>>
    %dma_wait3A_710 = tpu.memref_squeeze %dma_wait3A_709 : memref<1x128x128xf32, #tpu.memory_space<vmem>> -> memref<128x128xf32, #tpu.memory_space<vmem>>
    %dma_wait3A_711 = arith.constant 0 : i32
    %dma_wait3A_712 = tpu.memref_slice %arg6[%add3A_615, %dma_wait3A_711] : memref<16384x128xf32, #tpu.memory_space<hbm>> -> memref<128x128xf32, #tpu.memory_space<hbm>>
    %dma_wait3A_713 = arith.constant 0 : i32
    %dma_wait3A_714 = tpu.memref_slice %arg6[%add3A_615, %dma_wait3A_713] : memref<16384x128xf32, #tpu.memory_space<hbm>> -> memref<128x128xf32, #tpu.memory_space<hbm>>
    %dma_wait3A_715 = arith.constant 0 : i32
    %dma_wait3A_716 = arith.constant 0 : i32
    %dma_wait3A_717 = tpu.memref_slice %arg9[%dma_wait3A_706, %dma_wait3A_715, %dma_wait3A_716] : memref<4x128x128xf32, #tpu.memory_space<vmem>> -> memref<1x128x128xf32, #tpu.memory_space<vmem>>
    %dma_wait3A_718 = tpu.memref_squeeze %dma_wait3A_717 : memref<1x128x128xf32, #tpu.memory_space<vmem>> -> memref<128x128xf32, #tpu.memory_space<vmem>>
    tpu.wait_dma2 semaphore(%arg14 : memref<!tpu.dma_semaphore, #tpu.memory_space<semaphore_mem>>) src(%dma_wait3A_718 : memref<128x128xf32, #tpu.memory_space<vmem>>) dst(%dma_wait3A_714 : memref<128x128xf32, #tpu.memory_space<hbm>>)
    %dma_wait3A_719 = arith.constant 3 : i32
    %dma_wait3A_720 = arith.constant 0 : i32
    %dma_wait3A_721 = tpu.memref_slice %arg10[%dma_wait3A_719, %dma_wait3A_720] : memref<4x128xf32, #tpu.memory_space<vmem>> -> memref<1x128xf32, #tpu.memory_space<vmem>>
    %dma_wait3A_722 = tpu.memref_squeeze %dma_wait3A_721 : memref<1x128xf32, #tpu.memory_space<vmem>> -> memref<128xf32, #tpu.memory_space<vmem>>
    %dma_wait3A_723 = tpu.memref_slice %arg7[%add3A_630] : memref<16384xf32, #tpu.memory_space<hbm>> -> memref<128xf32, #tpu.memory_space<hbm>>
    %dma_wait3A_724 = tpu.memref_slice %arg7[%add3A_630] : memref<16384xf32, #tpu.memory_space<hbm>> -> memref<128xf32, #tpu.memory_space<hbm>>
    %dma_wait3A_725 = arith.constant 0 : i32
    %dma_wait3A_726 = tpu.memref_slice %arg10[%dma_wait3A_719, %dma_wait3A_725] : memref<4x128xf32, #tpu.memory_space<vmem>> -> memref<1x128xf32, #tpu.memory_space<vmem>>
    %dma_wait3A_727 = tpu.memref_squeeze %dma_wait3A_726 : memref<1x128xf32, #tpu.memory_space<vmem>> -> memref<128xf32, #tpu.memory_space<vmem>>
    tpu.wait_dma2 semaphore(%arg14 : memref<!tpu.dma_semaphore, #tpu.memory_space<semaphore_mem>>) src(%dma_wait3A_727 : memref<128xf32, #tpu.memory_space<vmem>>) dst(%dma_wait3A_724 : memref<128xf32, #tpu.memory_space<hbm>>)
    return
  }
}

</mosaic_0001>

<sc_bundles>
// kernel: kernel.3.cloned.1.call-start
scs
__scs_entry_jumppad:
0x0: {  	(pc) =	sbr.rel $0x88, $3  }
0x1: {  	(tag) =	ssettag $0x0;
	lr =	simm.s32 $0x1  }
0x2: {  	[smem:$0x3F9D] =	sst lr;
	_ =	strace $0xD0000000  }
0x3: {  	_ = 	snop  }
0x4: {  	_ = 	snop  }
0x5: {  	_ = 	snop  }
0x6: {  	_ = 	snop  }
0x7: {  	_ = 	snop  }
__scs_overlays_trampoline_lowered:
0x8: {  	[smem:$0x3FAC] =	sst s0  }
0x9: {  	[smem:$0x3FAD] =	sst s1  }
0xa: {  	[smem:$0x3FAE] =	sst s2  }
0xb: {  	[smem:$0x3FAF] =	sst s3  }
0xc: {  	[smem:$0x3FB0] =	sst s4  }
0xd: {  	[smem:$0x3FB1] =	sst s5  }
0xe: {  	[smem:$0x3FB2] =	sst s6  }
0xf: {  	[smem:$0x3FB3] =	sst s7  }
0x10: {  	[smem:$0x3FB4] =	sst s8  }
0x11: {  	[smem:$0x3FB5] =	sst s9;
	s0 =	simm.s32 @!p0 $0x0  }
0x12: {  	s1 =	sld [smem:$0x3F9B];
	s0 =	simm.s32 @p0 $0x1  }
0x13: {  	[smem:$0x3FB6] =	sst s0;
	s0 =	simm.s32 @!p1 $0x0  }
0x14: {  	s2 =	sld [smem:$0x3F9A];
	s0 =	simm.s32 @p1 $0x1  }
0x15: {  	[smem:$0x3FB7] =	sst s0;
	s0 =	simm.s32 @!p2 $0x0  }
0x16: {  	s3 =	sld [smem:$0x3FDB];
	s0 =	simm.s32 @p2 $0x1  }
0x17: {  	s4 =	simm.s32 $0x1BF5;
	[smem:$0x3FB9] =	sst s0  }
0x18: {  	s0 =	sld [smem:$0x3F9C];
	_ =	swait.ge [sflag:s4], $0x0  }
0x19: {  	s7 =	sld [smem:$0x3F9D]  }
0x1a: {  	s8 =	sadd.s32 $0xFFFFE003, lr  }
0x1b: {  	s9 =	sadd.s32 $0xFFFFFEF7, lr;
	s5 =	simm.s32 $0xFFFFFFFF;
	p2 =	slt.u32 s8, $0xFFFFF086  }
0x1c: {  	p1 =	slt.u32 s9, $0xF7A;
	s5 =	simm.s32 @!p2 $0x0  }
0x1d: {  	s5 =	simm.s32 @p1 $0x1;
	p0 =	seq.s32 s7, s2  }
0x1e: {  	s7 =	smul.u32 @!p0 $0xF7A, s2;
	p2 =	seq.s32 @!p0 s5, $0x0  }
0x1f: {  	s9 =	smul.u32 $0xF7A, s1;
	s8 =	simm.s32 @!p0 $0x1BF5;
	p2 =	por !p2, p0  }
0x20: {  	[sflag:s8] =	ssyncset.s32 @!p0 $0xFFFFF086;
	s6 =	sadd.s32 @!p0 s3, s7;
	s7 =	simm.s32 @!p0 $0x108  }
0x21: {  	s3 =	sadd.s32 s3, s9;
	s6 =	sadd.s32 @!p0 $0x88, s6;
	s7 =	simm.s32 @p2 $0x1082  }
0x22: {  	[simem:s7], [sflag:s8] =	dma.local @!p0 [hbm:s6], $0xF7A  }
0x23: {  	s9 =	sor.u32 $0xD0000000, s2;
	s6 =	simm.s32 $0x108;
	_ =	swait.ge @!p0 [sflag:s8], $0x0  }
0x24: {  	s3 =	sadd.s32 $0x88, s3;
	s6 =	simm.s32 @!p1 $0x1082;
	[sflag:s4] =	ssyncset.s32 $0xFFFFF086  }
0x25: {  	[simem:s6], [sflag:s4] =	dma.local [hbm:s3], $0xF7A  }
0x26: {  	[smem:$0x3F9D] =	sst s1;
	(tag) =	ssettag s2;
	_ =	strace s9  }
0x27: {  	s1 =	sld [smem:$0x3FAD]  }
0x28: {  	s2 =	sld [smem:$0x3FAE]  }
0x29: {  	s4 =	sld [smem:$0x3FB0]  }
0x2a: {  	p0 =	seq.s32 s5, $0x0;
	s5 =	sld [smem:$0x3FB1]  }
0x2b: {  	s6 =	sld [smem:$0x3FB2]  }
0x2c: {  	s7 =	sld [smem:$0x3FB3]  }
0x2d: {  	s3 =	simm.s32 $0x108;
	s8 =	sld [smem:$0x3FB4]  }
0x2e: {  	s3 =	simm.s32 @!p0 $0x1082;
	s9 =	sld [smem:$0x3FB5]  }
0x2f: {  	lr =	sadd.s32 s0, s3;
	s0 =	sld [smem:$0x3FAC]  }
0x30: {  	s3 =	sld [smem:$0x3FAF]  }
0x31: {  	[smem:$0x3FB8] =	sst s10  }
0x32: {  	s10 =	sld [smem:$0x3FB6];
	_ =	sdelay $0x3  }
0x33: {  	p0 =	seq.s32 s10, $0x1;
	s10 =	sld [smem:$0x3FB8];
	_ =	sdelay $0x3  }
0x34: {  	[smem:$0x3FB8] =	sst s10  }
0x35: {  	s10 =	sld [smem:$0x3FB7];
	_ =	sdelay $0x3  }
0x36: {  	p1 =	seq.s32 s10, $0x1;
	s10 =	sld [smem:$0x3FB8];
	_ =	sdelay $0x3  }
0x37: {  	[smem:$0x3FB8] =	sst s10  }
0x38: {  	s10 =	sld [smem:$0x3FB9]  }
0x39: {  	_ = 	snop;
	(pc) =	sbr.ind lr, $3  }
0x3a: {  	_ = 	snop  }
0x3b: {  	_ = 	snop  }
0x3c: {  	p2 =	seq.s32 s10, $0x1;
	s10 =	sld [smem:$0x3FB8]  }
0x3d: {  	_ =	shalt  }
0x3e: {  	_ =	shalt  }
0x3f: {  	_ =	shalt  }
0x40: {  	_ =	shalt  }
0x41: {  	_ =	shalt  }
0x42: {  	_ =	shalt  }
0x43: {  	_ =	shalt  }
0x44: {  	_ =	shalt  }
0x45: {  	_ =	shalt  }
0x46: {  	_ =	shalt  }
0x47: {  	_ =	shalt  }
0x48: {  	_ =	shalt  }
0x49: {  	_ =	shalt  }
0x4a: {  	_ =	shalt  }
0x4b: {  	_ =	shalt  }
0x4c: {  	_ =	shalt  }
0x4d: {  	_ =	shalt  }
0x4e: {  	_ =	shalt  }
0x4f: {  	_ =	shalt  }
0x50: {  	_ =	shalt  }
0x51: {  	_ =	shalt  }
0x52: {  	_ =	shalt  }
0x53: {  	_ =	shalt  }
0x54: {  	_ =	shalt  }
0x55: {  	_ =	shalt  }
0x56: {  	_ =	shalt  }
0x57: {  	_ =	shalt  }
0x58: {  	_ =	shalt  }
0x59: {  	_ =	shalt  }
0x5a: {  	_ =	shalt  }
0x5b: {  	_ =	shalt  }
0x5c: {  	_ =	shalt  }
0x5d: {  	_ =	shalt  }
0x5e: {  	_ =	shalt  }
0x5f: {  	_ =	shalt  }
0x60: {  	_ =	shalt  }
0x61: {  	_ =	shalt  }
0x62: {  	_ =	shalt  }
0x63: {  	_ =	shalt  }
0x64: {  	_ =	shalt  }
0x65: {  	_ =	shalt  }
0x66: {  	_ =	shalt  }
0x67: {  	_ =	shalt  }
0x68: {  	_ =	shalt  }
0x69: {  	_ =	shalt  }
0x6a: {  	_ =	shalt  }
0x6b: {  	_ =	shalt  }
0x6c: {  	_ =	shalt  }
0x6d: {  	_ =	shalt  }
0x6e: {  	_ =	shalt  }
0x6f: {  	_ =	shalt  }
0x70: {  	_ =	shalt  }
0x71: {  	_ =	shalt  }
0x72: {  	_ =	shalt  }
0x73: {  	_ =	shalt  }
0x74: {  	_ =	shalt  }
0x75: {  	_ =	shalt  }
0x76: {  	_ =	shalt  }
0x77: {  	_ =	shalt  }
0x78: {  	_ =	shalt  }
0x79: {  	_ =	shalt  }
0x7a: {  	_ =	shalt  }
0x7b: {  	_ =	shalt  }
0x7c: {  	_ =	shalt  }
0x7d: {  	_ =	shalt  }
0x7e: {  	_ =	shalt  }
0x7f: {  	_ =	shalt  }
0x80: {  	_ =	shalt  }
0x81: {  	_ =	shalt  }
0x82: {  	_ =	shalt  }
0x83: {  	_ =	shalt  }
0x84: {  	_ =	shalt  }
0x85: {  	_ =	shalt  }
0x86: {  	_ =	shalt  }
0x87: {  	_ =	shalt  }
.Lfunc_end0:
.L_simem_size_0:
called_computation_lowered:
.L_overlay_start_0:
0x88: {  	s2 =	sld [smem:$0x3FD9]  }
0x89: {  	s3 =	sld [smem:$0x3FFE];
	_ =	sdelay $0x1  }
0x8a: {  	s1 =	srdreg.scid  }
0x8b: {  	s0 =	sand.u32 $0x1, s1  }
0x8c: {  	s15 =	sshll.u32 s0, $0xA;
	s2 =	sadd.s32 s3, s2  }
0x8d: {  	s2 =	sadd.s32 s2, s15  }
0x8e: {  	[smem:$0x3FC4] =	sst s2  }
0x8f: {  	_ = 	snop  }
0x90: {  	s2 =	sld [smem:$0x3FC9]  }
0x91: {  	s16 =	sld [smem:$0x3FD0]  }
0x92: {  	s4 =	sld [smem:$0x3FC8]  }
0x93: {  	s5 =	sld [smem:$0x3FC7]  }
0x94: {  	s7 =	simm.s32 $0xA;
	s8 =	simm.s32 $0x10;
	s6 =	sld [smem:$0x3FC6]  }
0x95: {  	[smem:s8], [sflag:s7] =	dma.local [hbm:s16], $0x1  }
0x96: {  	_ =	swait.eq [sflag:s7], $0x1  }
0x97: {  	[sflag:s7] =	ssyncset.done $0x0  }
0x98: {  	s17 =	sld [smem:$0x10];
	[sflag:s7] =	ssyncadd.s32 $0xFFFFFFFF  }
0x99: {  	s18 =	sld [smem:$0x11];
	(tm) =	ssettm $0x1  }
0x9a: {  	s19 =	sld [smem:$0x3FFB];
	_ =	sdelay $0x3  }
0x9b: {  	_ =	strace s19  }
0x9c: {  	s8 =	sld [smem:$0x3FFC];
	_ =	sdelay $0x3  }
0x9d: {  	_ =	strace s8  }
0x9e: {  	s8 =	sld [smem:$0x3FFD];
	_ =	sdelay $0x3  }
0x9f: {  	_ =	strace s8  }
0xa0: {  	_ =	strace $0x8FFFFFFF  }
0xa1: {  	s20 =	sld [smem:$0x3FDB];
	_ =	sdelay $0x1  }
0xa2: {  	s9 =	simm.s32 $_scs_section_size  }
0xa3: {  	s10 =	simm.s32 $_size__tile_overlayer_lowered;
	s11 =	simm.s32 $_tile_overlayer_lowered  }
0xa4: {  	s23 =	simm.s32 $0x1BFF;
	s22 =	sshll.u32 s11, $0x1;
	s8 =	sadd.s32 s9, s20  }
0xa5: {  	s12 =	simm.s32 $0x0;
	s21 =	sshll.u32 s10, $0x1;
	s10 =	sadd.s32 s22, s8  }
0xa6: {  	[timem:s12], [sflag:s23] =	dma.local [hbm:s10], s21  }
0xa7: {  	_ =	swait.ge [sflag:s23], s21  }
0xa8: {  	s9 =	ssub.s32 $0x0, s21;
	[sflag:s23] =	ssyncset.done $0x0  }
0xa9: {  	[sflag:s23] =	ssyncadd.s32 s9;
	_ =	sdelay $0x1  }
0xaa: {  	s24 =	simm.s32 $0x1B8B  }
0xab: {  	_ =	swait.ge [sflag:s24], $0x1  }
0xac: {  	[sflag:s24] =	ssyncset.done $0x0  }
0xad: {  	s25 =	simm.s32 $0x1B8E;
	[sflag:s24] =	ssyncadd.s32 $0xFFFFFFFF  }
0xae: {  	s26 =	simm.s32 $execute0_lowered;
	[smem:$0x3FD2] =	sst s25  }
0xaf: {  	s9 =	sshll.u32 s26, $0x1;
	_ =	strace $0x80000046;
	[dreg:$0x1] =	wrdreg $0xFFFFFFFF  }
0xb0: {  	s28 =	simm.s32 $_size_execute0_lowered;
	s8 =	sadd.s32 s8, s9;
	[dreg:$0x0] =	wrdreg $0x0  }
0xb1: {  	s9 =	sshll.u32 s28, $0x1;
	[dreg:$0x2] =	wrdreg s8  }
0xb2: {  	[dreg:$0x3] =	wrdreg s9  }
0xb3: {  	[dreg:$0x4] =	wrdreg $0xC0  }
0xb4: {  	_ =	task [dreg:s12], $0x5FFFF  }
0xb5: {  	[dreg:$0x1] =	wrdreg $0xFFFFFFFF  }
0xb6: {  	[dreg:$0x0] =	wrdreg $0x60  }
0xb7: {  	[dreg:$0x2] =	wrdreg s2  }
0xb8: {  	[dreg:$0x3] =	wrdreg s4  }
0xb9: {  	[dreg:$0x4] =	wrdreg s5  }
0xba: {  	[dreg:$0x5] =	wrdreg s6  }
0xbb: {  	[dreg:$0x6] =	wrdreg s17  }
0xbc: {  	[dreg:$0x7] =	wrdreg s18  }
0xbd: {  	[dreg:$0x8] =	wrdreg $0x9  }
0xbe: {  	_ =	task.clear_ibuf [dreg:s12], $0x9FFFF;
	_ =	strace $0x90000046  }
0xbf: {  	s29 =	simm.s32 $0x9;
	_ =	strace $0x80000048  }
0xc0: {  	_ =	swait.ge [sflag:s29], $0x1  }
0xc1: {  	[sflag:s29] =	ssyncadd.s32 $0xFFFFFFFF  }
0xc2: {  	_ =	strace $0x90000048  }
0xc3: {  	_ =	sfence  }
0xc4: {  	s30 =	sld [smem:$0x0];
	_ =	sdelay $0x2  }
0xc5: {  	s31 =	sshll.u32 s1, $0xD;
	s1 =	sshrl.u32 s1, $0x2  }
0xc6: {  	s3 =	sand.u32 $0x4000, s31;
	s1 =	sadd.s32 s1, s30  }
0xc7: {  	s0 =	sor.u32 s3, s0;
	s1 =	sshll.u32 s1, $0x11  }
0xc8: {  	s0 =	sor.u32 s1, s0  }
0xc9: {  	s0 =	sadd.s32 $0x8F2B, s0  }
0xca: {  	[sflag:s0] =	ssyncadd.remote.s32 $0x1  }
0xcb: {  	_ =	sfence.sel $0xFFFF  }
0xcc: {  	[dreg:$0x0] =	wrdreg $0xFFFFFFFF;
	(pc) =	sbr.abs _section_cstart, $3  }
0xcd: {  	[dreg:$0x1] =	wrdreg $0xFFFFFFFF  }
0xce: {  	_ =	task.clear_ibuf [dreg:s12], $0x2FFFF;
	_ =	strace $0x9FFFFFFF  }
0xcf: {  	(tm) =	ssettm $0x7FFFFFFF  }
tec
execute0_lowered:
.L_overlay_start_1:
0x0: {  	(tag) =	ssettag $0x1  }
0x1: {  	s0 =	rddreg [dreg:$0x0]  }
0x2: {  	s3 =	rddreg [dreg:$0x1]  }
0x3: {  	s1 =	rddreg [dreg:$0x2]  }
0x4: {  	s2 =	rddreg [dreg:$0x3]  }
0x5: {  	s4 =	srdreg.scid;
	s5 =	rddreg [dreg:$0x4]  }
0x6: {  	s7 =	stileid.u32;
	s14 =	rddreg [dreg:$0x5]  }
0x7: {  	s28 =	simm.s32 $0xC200;
	s30 =	simm.s32 $0x5;
	s31 =	simm.s32 $0x1  }
0x8: {  	s29 =	simm.s32 $0x4;
	s6 =	sand.u32 $0x1, s4;
	s13 =	sshll.u32 s7, $0x1  }
0x9: {  	s4 =	simm.s32 $0x0;
	s8 =	sor.u32 s6, s13;
	s9 =	ssub.s32 $0x2, s6  }
0xa: {  	s6 =	sshll.u32 s6, $0x9;
	[smem:$0x7FF] =	sst s4;
	s12 =	sshll.u32 s8, $0x9  }
0xb: {  	s11 =	sshrl.u32 s9, $0x1;
	_ =	strace $0x80000047;
	s17 =	sshll.u32 s8, $0xD  }
0xc: {  	s18 =	sshll.u32 s8, $0x6;
	s10 =	sand.u32 $0x3C00, s12;
	s15 =	ssub.s32 s9, s11  }
0xd: {  	s19 =	sor.u32 $0x80, s12;
	s21 =	sor.u32 $0x100, s12;
	s24 =	sor.u32 $0x180, s12  }
0xe: {  	s6 =	sor.u32 s6, s10;
	s20 =	sshll.u32 s19, $0x4;
	s22 =	sshrl.u32 s19, $0x3  }
0xf: {  	s23 =	sshll.u32 s21, $0x4;
	s25 =	sshrl.u32 s21, $0x3;
	s26 =	sshll.u32 s24, $0x4  }
0x10: {  	s15 =	smax.u32 s15, $0x1;
	s19 =	simm.s32 $0x10280;
	s21 =	simm.s32 $0x10300  }
0x11: {  	s6 =	sshrl.u32 s6, $0x3;
	s9 =	sadd.s32 s5, s20;
	s10 =	sadd.s32 s14, s22  }
0x12: {  	s11 =	sadd.s32 s5, s23;
	s12 =	sadd.s32 s14, s25;
	s13 =	sadd.s32 s5, s26  }
0x13: {  	s20 =	simm.s32 $0x100;
	s22 =	simm.s32 $0x180;
	s23 =	simm.s32 $0x10380  }
0x14: {  	s25 =	simm.s32 $0x4200;
	s26 =	simm.s32 $0x8200;
	s0 =	sadd.s32 s0, s6  }
0x15: {  	s16 =	sadd.s32 s3, s6;
	s3 =	simm.s32 $0x2;
	[dreg:$0x7] =	wrdreg s0  }
.Ltmp0:
0x16: {  	s6 =	simm.s32 $0x0;
	[dreg:$0x8] =	wrdreg s16;
	(pc) =	sbr.rel .LBB2_1-.Ltmp0, $4  }
0x17: {  	s0 =	sadd.s32 s5, s17;
	s16 =	simm.s32 $0x7;
	s17 =	simm.s32 $0x80  }
0x18: {  	s5 =	simm.s32 $0x6;
	[dreg:$0x9] =	wrdreg s0;
	s0 =	sadd.s32 s14, s18  }
0x19: {  	s18 =	simm.s32 $0x10200;
	[dreg:$0xa] =	wrdreg s0;
	s0 =	sshrl.u32 s24, $0x3  }
0x1a: {  	v0 =	vimm.f32 $NaN;
	s24 =	simm.s32 $0x200;
	s14 =	sadd.s32 s14, s0;
	s0 =	simm.s32 $0x3  }
.LBB2_17:
0x1b: {  	[tilespmem:s7+$0xC270] =	vst v0  }
0x1c: {  	[tilespmem:s7+$0xC200] =	vst v0  }
0x1d: {  	[tilespmem:s7+$0xC210] =	vst v0  }
0x1e: {  	[tilespmem:s7+$0xC220] =	vst v0  }
0x1f: {  	[tilespmem:s7+$0xC230] =	vst v0  }
0x20: {  	[tilespmem:s7+$0xC240] =	vst v0  }
0x21: {  	[tilespmem:s7+$0xC250] =	vst v0  }
0x22: {  	[tilespmem:s7+$0xC260] =	vst v0  }
.LBB2_18:
0x23: {  	[hbm4b:s13+s4] =	stream.linear.scatter [tilespmem:s28], [sflag:$0x6], $0x4000, $0x38;
	[tilespmem:$0x10600] =	vst v63  }
0x24: {  	_ = 	snop  }
0x25: {  	[hbm4b:s14+s4] =	stream.linear.scatter [tilespmem:s23], [sflag:$0x6], $0x80, $0x38;
	[tilespmem:$0x10600] =	vst v63  }
0x26: {  	_ =	swait.ge [sflag:s5], $0x4000  }
0x27: {  	[sflag:s5] =	ssyncset.done $0x0  }
0x28: {  	[sflag:s5] =	ssyncadd.s32 $0xFFFFC000  }
0x29: {  	_ =	swait.ge [sflag:s5], $0x80  }
0x2a: {  	[sflag:s5] =	ssyncset.done $0x0  }
0x2b: {  	[sflag:s5] =	ssyncadd.s32 $0xFFFFFF80  }
0x2c: {  	_ =	swait.ge [sflag:s5], $0x4000  }
0x2d: {  	[sflag:s5] =	ssyncset.done $0x0  }
0x2e: {  	[sflag:s5] =	ssyncadd.s32 $0xFFFFC000  }
0x2f: {  	_ =	swait.ge [sflag:s5], $0x80  }
0x30: {  	[sflag:s5] =	ssyncset.done $0x0  }
0x31: {  	[sflag:s5] =	ssyncadd.s32 $0xFFFFFF80  }
0x32: {  	_ =	swait.ge [sflag:s5], $0x4000  }
0x33: {  	[sflag:s5] =	ssyncset.done $0x0  }
0x34: {  	[sflag:s5] =	ssyncadd.s32 $0xFFFFC000  }
0x35: {  	_ =	swait.ge [sflag:s5], $0x80  }
0x36: {  	[sflag:s5] =	ssyncset.done $0x0  }
0x37: {  	s6 =	sadd.s32 $0x1, s6;
	[sflag:s5] =	ssyncadd.s32 $0xFFFFFF80  }
0x38: {  	p0 =	sne.s32 s6, s15;
	_ =	swait.ge [sflag:s5], $0x4000  }
.Ltmp1:
0x39: {  	[sflag:s5] =	ssyncset.done $0x0;
	(pc) =	sbr.rel @!p0 .LBB2_19-.Ltmp1, $4  }
0x3a: {  	[sflag:s5] =	ssyncadd.s32 $0xFFFFC000  }
0x3b: {  	_ =	swait.ge [sflag:s5], $0x80  }
0x3c: {  	[sflag:s5] =	ssyncset.done $0x0  }
0x3d: {  	[sflag:s5] =	ssyncadd.s32 $0xFFFFFF80  }
.LBB2_1:
0x3e: {  	s7 =	rddreg [dreg:$0x7]  }
0x3f: {  	[tilespmem:s4], [sflag:$0x7] =	stream.linear.gather [hbm4b:s7+s4], $0x200, $0x38;
	[tilespmem:$0x10600] =	vst v63  }
0x40: {  	_ =	swait.ge [sflag:s16], $0x200  }
0x41: {  	[sflag:s16] =	ssyncset.done $0x0  }
0x42: {  	[sflag:s16] =	ssyncadd.s32 $0xFFFFFE00  }
0x43: {  	[tilespmem:s18], [sflag:$0x5] =	stream.indirect.gather [hbm4b:s2+s17], $0x1, s4, s17, $0xb8;
	[tilespmem:$0x10600] =	vst v63  }
0x44: {  	_ = 	snop  }
0x45: {  	[tilespmem:s19], [sflag:$0x5] =	stream.indirect.gather [hbm4b:s2+s17], $0x1, s17, s17, $0xb8;
	[tilespmem:$0x10600] =	vst v63  }
0x46: {  	_ = 	snop  }
0x47: {  	[tilespmem:s21], [sflag:$0x5] =	stream.indirect.gather [hbm4b:s2+s17], $0x1, s20, s17, $0xb8;
	[tilespmem:$0x10600] =	vst v63  }
0x48: {  	_ = 	snop  }
0x49: {  	[tilespmem:s23], [sflag:$0x5] =	stream.indirect.gather [hbm4b:s2+s17], $0x1, s22, s17, $0xb8;
	[tilespmem:$0x10600] =	vst v63  }
0x4a: {  	_ = 	snop  }
0x4b: {  	[tilespmem:s24], [sflag:$0x1] =	stream.indirect.gather [hbm4b:s1+s17], $0x80, s4, s17, $0xb8;
	[tilespmem:$0x10600] =	vst v63  }
0x4c: {  	_ = 	snop  }
0x4d: {  	[tilespmem:s25], [sflag:$0x2] =	stream.indirect.gather [hbm4b:s1+s17], $0x80, s17, s17, $0xb8;
	[tilespmem:$0x10600] =	vst v63  }
0x4e: {  	_ = 	snop  }
0x4f: {  	[tilespmem:s26], [sflag:$0x3] =	stream.indirect.gather [hbm4b:s1+s17], $0x80, s20, s17, $0xb8;
	[tilespmem:$0x10600] =	vst v63  }
0x50: {  	_ = 	snop  }
0x51: {  	[tilespmem:s28], [sflag:$0x4] =	stream.indirect.gather [hbm4b:s1+s17], $0x80, s22, s17, $0xb8;
	[tilespmem:$0x10600] =	vst v63  }
0x52: {  	s8 =	simm.s32 $0x10400;
	s7 =	rddreg [dreg:$0x8]  }
0x53: {  	[tilespmem:s8], [sflag:$0x7] =	stream.linear.gather [hbm4b:s7+s4], $0x200, $0x38;
	[tilespmem:$0x10600] =	vst v63  }
0x54: {  	_ =	swait.ge [sflag:s16], $0x200  }
0x55: {  	[sflag:s16] =	ssyncset.done $0x0  }
0x56: {  	[sflag:s16] =	ssyncadd.s32 $0xFFFFFE00  }
0x57: {  	_ =	swait.ge [sflag:s30], $0x80  }
0x58: {  	[sflag:s30] =	ssyncset.done $0x0  }
0x59: {  	[sflag:s30] =	ssyncadd.s32 $0xFFFFFF80  }
0x5a: {  	_ =	swait.ge [sflag:s30], $0x80  }
0x5b: {  	[sflag:s30] =	ssyncset.done $0x0  }
0x5c: {  	[sflag:s30] =	ssyncadd.s32 $0xFFFFFF80  }
0x5d: {  	_ =	swait.ge [sflag:s30], $0x80  }
0x5e: {  	[sflag:s30] =	ssyncset.done $0x0  }
0x5f: {  	[sflag:s30] =	ssyncadd.s32 $0xFFFFFF80  }
0x60: {  	_ =	swait.ge [sflag:s30], $0x80  }
0x61: {  	[sflag:s30] =	ssyncset.done $0x0  }
0x62: {  	[sflag:s30] =	ssyncadd.s32 $0xFFFFFF80  }
0x63: {  	v1 =	vld [tilespmem:$0x10400]  }
0x64: {  	v2 =	vld [tilespmem:$0x10200]  }
0x65: {  	v3 =	vld [tilespmem:$0x10410]  }
0x66: {  	v4 =	vld [tilespmem:$0x10210]  }
0x67: {  	v5 =	vld [tilespmem:$0x10420]  }
0x68: {  	v6 =	vld [tilespmem:$0x10220]  }
0x69: {  	v7 =	vld [tilespmem:$0x10430]  }
0x6a: {  	v8 =	vld [tilespmem:$0x10230]  }
0x6b: {  	v9 =	vld [tilespmem:$0x10440]  }
0x6c: {  	v10 =	vld [tilespmem:$0x10240]  }
0x6d: {  	v11 =	vld [tilespmem:$0x10450]  }
0x6e: {  	v12 =	vld [tilespmem:$0x10250]  }
0x6f: {  	v13 =	vld [tilespmem:$0x10460]  }
0x70: {  	v14 =	vld [tilespmem:$0x10260]  }
0x71: {  	v15 =	vld [tilespmem:$0x10470]  }
0x72: {  	v16 =	vld [tilespmem:$0x10270]  }
0x73: {  	v17 =	vld [tilespmem:$0x10480]  }
0x74: {  	v18 =	vld [tilespmem:$0x10280]  }
0x75: {  	v19 =	vld [tilespmem:$0x10490]  }
0x76: {  	v20 =	vld [tilespmem:$0x10290]  }
0x77: {  	v21 =	vld [tilespmem:$0x104A0]  }
0x78: {  	v22 =	vld [tilespmem:$0x102A0]  }
0x79: {  	v23 =	vld [tilespmem:$0x104B0]  }
0x7a: {  	v24 =	vld [tilespmem:$0x102B0]  }
0x7b: {  	v25 =	vld [tilespmem:$0x104C0]  }
0x7c: {  	v26 =	vld [tilespmem:$0x102C0]  }
0x7d: {  	v27 =	vld [tilespmem:$0x104D0]  }
0x7e: {  	v28 =	vld [tilespmem:$0x102D0]  }
0x7f: {  	v29 =	vld [tilespmem:$0x104E0]  }
0x80: {  	v30 =	vld [tilespmem:$0x102E0]  }
0x81: {  	v31 =	vld [tilespmem:$0x104F0]  }
0x82: {  	v32 =	vld [tilespmem:$0x102F0]  }
0x83: {  	v33 =	vld [tilespmem:$0x10500]  }
0x84: {  	v34 =	vld [tilespmem:$0x10300]  }
0x85: {  	v35 =	vld [tilespmem:$0x10510]  }
0x86: {  	v36 =	vld [tilespmem:$0x10310]  }
0x87: {  	v37 =	vld [tilespmem:$0x10520]  }
0x88: {  	v38 =	vld [tilespmem:$0x10320]  }
0x89: {  	v44 =	vld [tilespmem:$0x10340];
	vm0 =	vgt.f32 v1, v2;
	vm1 =	vgt.f32 v3, v4  }
0x8a: {  	v45 =	vld [tilespmem:$0x10550];
	vm10 =	vgt.f32 v5, v6;
	vm0 =	vmor vm0, vm1  }
0x8b: {  	v46 =	vld [tilespmem:$0x10350];
	vm11 =	vgt.f32 v7, v8;
	vm0 =	vmor vm0, vm10  }
0x8c: {  	v47 =	vld [tilespmem:$0x10560];
	vm12 =	vgt.f32 v9, v10;
	vm0 =	vmor vm0, vm11  }
0x8d: {  	v48 =	vld [tilespmem:$0x10360];
	vm13 =	vgt.f32 v11, v12;
	vm0 =	vmor vm0, vm12  }
0x8e: {  	v49 =	vld [tilespmem:$0x10570];
	vm14 =	vgt.f32 v13, v14;
	vm0 =	vmor vm0, vm13  }
0x8f: {  	v50 =	vld [tilespmem:$0x10370];
	vm15 =	vgt.f32 v15, v16;
	vm0 =	vmor vm0, vm14  }
0x90: {  	v51 =	vld [tilespmem:$0x10580];
	vm4 =	vgt.f32 v17, v18;
	vm0 =	vmor vm0, vm15  }
0x91: {  	v52 =	vld [tilespmem:$0x10380];
	vm5 =	vgt.f32 v19, v20;
	vm0 =	vmor vm0, vm4  }
0x92: {  	v53 =	vld [tilespmem:$0x10590];
	vm6 =	vgt.f32 v21, v22;
	vm0 =	vmor vm0, vm5  }
0x93: {  	v54 =	vld [tilespmem:$0x10390];
	vm7 =	vgt.f32 v23, v24;
	vm0 =	vmor vm0, vm6  }
0x94: {  	v55 =	vld [tilespmem:$0x105A0];
	vm8 =	vgt.f32 v25, v26;
	vm0 =	vmor vm0, vm7  }
0x95: {  	v1 =	vld [tilespmem:$0x10530];
	vm9 =	vgt.f32 v27, v28;
	vm0 =	vmor vm0, vm8  }
0x96: {  	v2 =	vld [tilespmem:$0x10330];
	vm10 =	vgt.f32 v29, v30;
	vm0 =	vmor vm0, vm9  }
0x97: {  	v3 =	vld [tilespmem:$0x10540];
	vm11 =	vgt.f32 v31, v32;
	vm0 =	vmor vm0, vm10  }
0x98: {  	v56 =	vld [tilespmem:$0x103A0];
	vm12 =	vgt.f32 v33, v34;
	vm0 =	vmor vm0, vm11  }
0x99: {  	v57 =	vld [tilespmem:$0x105B0];
	vm13 =	vgt.f32 v35, v36;
	vm0 =	vmor vm0, vm12  }
0x9a: {  	v58 =	vld [tilespmem:$0x103B0];
	vm14 =	vgt.f32 v37, v38;
	vm0 =	vmor vm0, vm13  }
0x9b: {  	v59 =	vld [tilespmem:$0x103D0];
	vm15 =	vgt.f32 v1, v2;
	vm0 =	vmor vm0, vm14  }
0x9c: {  	v60 =	vld [tilespmem:$0x105E0];
	vm4 =	vgt.f32 v3, v44;
	vm0 =	vmor vm0, vm15  }
0x9d: {  	v61 =	vld [tilespmem:$0x103E0];
	vm5 =	vgt.f32 v45, v46;
	vm0 =	vmor vm0, vm4  }
0x9e: {  	v1 =	vld [tilespmem:$0x105C0];
	vm6 =	vgt.f32 v47, v48;
	vm0 =	vmor vm0, vm5  }
0x9f: {  	v2 =	vld [tilespmem:$0x103C0];
	vm7 =	vgt.f32 v49, v50;
	vm0 =	vmor vm0, vm6  }
0xa0: {  	v3 =	vld [tilespmem:$0x105D0];
	vm8 =	vgt.f32 v51, v52;
	vm0 =	vmor vm0, vm7  }
0xa1: {  	v62 =	vld [tilespmem:$0x105F0];
	vm9 =	vgt.f32 v53, v54;
	vm0 =	vmor vm0, vm8  }
0xa2: {  	v63 =	vld [tilespmem:$0x103F0];
	vm10 =	vgt.f32 v55, v56;
	vm0 =	vmor vm0, vm9  }
0xa3: {  	vm11 =	vgt.f32 v57, v58;
	vm0 =	vmor vm0, vm10  }
0xa4: {  	vm12 =	vgt.f32 v1, v2;
	vm0 =	vmor vm0, vm11  }
0xa5: {  	vm13 =	vgt.f32 v3, v59;
	vm0 =	vmor vm0, vm12  }
0xa6: {  	vm14 =	vgt.f32 v60, v61;
	vm0 =	vmor vm0, vm13  }
0xa7: {  	vm15 =	vgt.f32 v62, v63;
	vm0 =	vmor vm0, vm14  }
0xa8: {  	vm0 =	vmor vm0, vm15  }
0xa9: {  	v1 =	vmpcnt.ones.xlane vm0;
	_ =	sdelay $0x1  }
0xaa: {  	(v2sf) =	vpush v1, $0x0;
	_ =	sdelay $0xe  }
0xab: {  	s8 =	spop (v2sf)  }
0xac: {  	p0 =	slt.s32 s8, $0x1  }
.Ltmp2:
0xad: {  	_ = 	snop;
	(pc) =	sbr.rel @p0 .LBB2_5-.Ltmp2, $1  }
0xae: {  	_ =	sdelay $0x3  }
0xaf: {  	[tilespmem:$0x10200] =	vst v0  }
0xb0: {  	[tilespmem:$0x10210] =	vst v0  }
0xb1: {  	[tilespmem:$0x10220] =	vst v0  }
0xb2: {  	[tilespmem:$0x10230] =	vst v0  }
0xb3: {  	[tilespmem:$0x10240] =	vst v0  }
0xb4: {  	[tilespmem:$0x10250] =	vst v0  }
0xb5: {  	[tilespmem:$0x10260] =	vst v0  }
0xb6: {  	[tilespmem:$0x10270] =	vst v0  }
0xb7: {  	[tilespmem:$0x10280] =	vst v0  }
0xb8: {  	[tilespmem:$0x10290] =	vst v0  }
0xb9: {  	[tilespmem:$0x102A0] =	vst v0  }
0xba: {  	[tilespmem:$0x102B0] =	vst v0  }
0xbb: {  	[tilespmem:$0x102C0] =	vst v0  }
0xbc: {  	[tilespmem:$0x102D0] =	vst v0  }
0xbd: {  	[tilespmem:$0x102E0] =	vst v0  }
0xbe: {  	[tilespmem:$0x102F0] =	vst v0  }
0xbf: {  	[tilespmem:$0x10300] =	vst v0  }
0xc0: {  	[tilespmem:$0x10310] =	vst v0  }
0xc1: {  	[tilespmem:$0x10320] =	vst v0  }
0xc2: {  	[tilespmem:$0x10330] =	vst v0  }
0xc3: {  	[tilespmem:$0x10340] =	vst v0  }
0xc4: {  	[tilespmem:$0x10350] =	vst v0  }
0xc5: {  	[tilespmem:$0x10360] =	vst v0  }
0xc6: {  	[tilespmem:$0x10370] =	vst v0  }
0xc7: {  	[tilespmem:$0x10380] =	vst v0  }
0xc8: {  	[tilespmem:$0x10390] =	vst v0  }
0xc9: {  	[tilespmem:$0x103A0] =	vst v0  }
0xca: {  	[tilespmem:$0x103B0] =	vst v0  }
0xcb: {  	[tilespmem:$0x103C0] =	vst v0  }
0xcc: {  	[tilespmem:$0x103D0] =	vst v0  }
0xcd: {  	[tilespmem:$0x103E0] =	vst v0  }
0xce: {  	[tilespmem:$0x103F0] =	vst v0  }
0xcf: {  	_ =	swait.ge [sflag:s31], $0x4000  }
0xd0: {  	[sflag:s31] =	ssyncset.done $0x0  }
0xd1: {  	s7 =	simm.s32 $0x0;
	s8 =	simm.s32 $0x200;
	[sflag:s31] =	ssyncadd.s32 $0xFFFFC000  }
.LBB2_3:
0xd2: {  	p1 =	seq.s32 s8, $0xFE00;
	[tilespmem:s7+$0x270] =	vst v0  }
0xd3: {  	[tilespmem:s7+$0x200] =	vst v0  }
0xd4: {  	[tilespmem:s7+$0x210] =	vst v0  }
.Ltmp3:
0xd5: {  	[tilespmem:s7+$0x220] =	vst v0;
	(pc) =	sbr.rel @!p1 .LBB2_3-.Ltmp3, $4  }
0xd6: {  	[tilespmem:s7+$0x230] =	vst v0  }
0xd7: {  	[tilespmem:s7+$0x240] =	vst v0  }
0xd8: {  	[tilespmem:s7+$0x250] =	vst v0  }
0xd9: {  	[tilespmem:s7+$0x260] =	vst v0;
	s7 =	sshra.s32 s8, $0x2;
	s8 =	sadd.s32 $0x200, s8  }
0xda: {  	[tilespmem:s7+$0x270] =	vst v0  }
0xdb: {  	[tilespmem:s7+$0x200] =	vst v0  }
0xdc: {  	[tilespmem:s7+$0x210] =	vst v0  }
.Ltmp4:
0xdd: {  	[tilespmem:s7+$0x220] =	vst v0;
	(pc) =	sbr.rel .LBB2_6-.Ltmp4, $4  }
0xde: {  	[tilespmem:s7+$0x230] =	vst v0  }
0xdf: {  	[tilespmem:s7+$0x240] =	vst v0  }
0xe0: {  	[tilespmem:s7+$0x250] =	vst v0  }
0xe1: {  	[tilespmem:s7+$0x260] =	vst v0  }
.LBB2_5:
0xe2: {  	_ =	swait.ge [sflag:s31], $0x4000  }
0xe3: {  	[sflag:s31] =	ssyncset.done $0x0  }
0xe4: {  	[sflag:s31] =	ssyncadd.s32 $0xFFFFC000  }
.LBB2_6:
0xe5: {  	s8 =	simm.s32 $0x0;
	s7 =	rddreg [dreg:$0x9]  }
0xe6: {  	[hbm4b:s7+s8] =	stream.linear.scatter [tilespmem:s24], [sflag:$0x6], $0x4000, $0x38;
	[tilespmem:$0x10600] =	vst v63  }
.Ltmp5:
0xe7: {  	s7 =	rddreg [dreg:$0xa];
	(pc) =	sbr.rel @p0 .LBB2_10-.Ltmp5, $4  }
0xe8: {  	[hbm4b:s7+s8] =	stream.linear.scatter [tilespmem:s18], [sflag:$0x6], $0x80, $0x38;
	[tilespmem:$0x10600] =	vst v63  }
0xe9: {  	_ =	swait.ge [sflag:s3], $0x4000  }
0xea: {  	[sflag:s3] =	ssyncset.done $0x0  }
0xeb: {  	[sflag:s3] =	ssyncadd.s32 $0xFFFFC000  }
0xec: {  	s7 =	sshra.s32 s8, $0x2;
	s8 =	sadd.s32 $0x200, s8  }
.LBB2_8:
0xed: {  	p1 =	sne.s32 s8, $0xFE00;
	[tilespmem:s7+$0x4270] =	vst v0  }
0xee: {  	[tilespmem:s7+$0x4200] =	vst v0  }
0xef: {  	[tilespmem:s7+$0x4210] =	vst v0  }
.Ltmp6:
0xf0: {  	[tilespmem:s7+$0x4220] =	vst v0;
	(pc) =	sbr.rel @p1 .LBB2_8-.Ltmp6, $4  }
0xf1: {  	[tilespmem:s7+$0x4230] =	vst v0  }
0xf2: {  	[tilespmem:s7+$0x4240] =	vst v0  }
0xf3: {  	[tilespmem:s7+$0x4250] =	vst v0  }
0xf4: {  	[tilespmem:s7+$0x4260] =	vst v0;
	s7 =	sshra.s32 s8, $0x2;
	s8 =	sadd.s32 $0x200, s8  }
0xf5: {  	[tilespmem:s7+$0x4270] =	vst v0  }
0xf6: {  	[tilespmem:s7+$0x4200] =	vst v0  }
0xf7: {  	[tilespmem:s7+$0x4210] =	vst v0  }
0xf8: {  	[tilespmem:s7+$0x4220] =	vst v0  }
0xf9: {  	[tilespmem:s7+$0x4230] =	vst v0  }
0xfa: {  	[tilespmem:s7+$0x4240] =	vst v0  }
0xfb: {  	[tilespmem:s7+$0x4250] =	vst v0  }
0xfc: {  	[tilespmem:s7+$0x4260] =	vst v0  }
.LBB2_10:
0xfd: {  	s8 =	simm.s32 $0x0  }
0xfe: {  	[hbm4b:s9+s8] =	stream.linear.scatter [tilespmem:s25], [sflag:$0x6], $0x4000, $0x38;
	[tilespmem:$0x10600] =	vst v63  }
.Ltmp7:
0xff: {  	_ = 	snop;
	(pc) =	sbr.rel @p0 .LBB2_14-.Ltmp7, $4  }
0x100: {  	[hbm4b:s10+s8] =	stream.linear.scatter [tilespmem:s19], [sflag:$0x6], $0x80, $0x38;
	[tilespmem:$0x10600] =	vst v63  }
0x101: {  	_ =	swait.ge [sflag:s0], $0x4000  }
0x102: {  	[sflag:s0] =	ssyncset.done $0x0  }
0x103: {  	[sflag:s0] =	ssyncadd.s32 $0xFFFFC000  }
0x104: {  	s7 =	sshra.s32 s8, $0x2;
	s8 =	sadd.s32 $0x200, s8  }
.LBB2_12:
0x105: {  	p1 =	sne.s32 s8, $0xFE00;
	[tilespmem:s7+$0x8270] =	vst v0  }
0x106: {  	[tilespmem:s7+$0x8200] =	vst v0  }
0x107: {  	[tilespmem:s7+$0x8210] =	vst v0  }
.Ltmp8:
0x108: {  	[tilespmem:s7+$0x8220] =	vst v0;
	(pc) =	sbr.rel @p1 .LBB2_12-.Ltmp8, $4  }
0x109: {  	[tilespmem:s7+$0x8230] =	vst v0  }
0x10a: {  	[tilespmem:s7+$0x8240] =	vst v0  }
0x10b: {  	[tilespmem:s7+$0x8250] =	vst v0  }
0x10c: {  	[tilespmem:s7+$0x8260] =	vst v0;
	s7 =	sshra.s32 s8, $0x2;
	s8 =	sadd.s32 $0x200, s8  }
0x10d: {  	[tilespmem:s7+$0x8270] =	vst v0  }
0x10e: {  	[tilespmem:s7+$0x8200] =	vst v0  }
0x10f: {  	[tilespmem:s7+$0x8210] =	vst v0  }
0x110: {  	[tilespmem:s7+$0x8220] =	vst v0  }
0x111: {  	[tilespmem:s7+$0x8230] =	vst v0  }
0x112: {  	[tilespmem:s7+$0x8240] =	vst v0  }
0x113: {  	[tilespmem:s7+$0x8250] =	vst v0  }
0x114: {  	[tilespmem:s7+$0x8260] =	vst v0  }
.LBB2_14:
0x115: {  	s8 =	simm.s32 $0x0  }
0x116: {  	[hbm4b:s11+s8] =	stream.linear.scatter [tilespmem:s26], [sflag:$0x6], $0x4000, $0x38;
	[tilespmem:$0x10600] =	vst v63  }
.Ltmp9:
0x117: {  	_ = 	snop;
	(pc) =	sbr.rel @p0 .LBB2_18-.Ltmp9, $4  }
0x118: {  	[hbm4b:s12+s8] =	stream.linear.scatter [tilespmem:s21], [sflag:$0x6], $0x80, $0x38;
	[tilespmem:$0x10600] =	vst v63  }
0x119: {  	_ =	swait.ge [sflag:s29], $0x4000  }
0x11a: {  	[sflag:s29] =	ssyncset.done $0x0  }
0x11b: {  	[sflag:s29] =	ssyncadd.s32 $0xFFFFC000  }
0x11c: {  	s7 =	sshra.s32 s8, $0x2;
	s8 =	sadd.s32 $0x200, s8  }
.LBB2_16:
0x11d: {  	p0 =	sne.s32 s8, $0xFE00;
	[tilespmem:s7+$0xC270] =	vst v0  }
0x11e: {  	[tilespmem:s7+$0xC200] =	vst v0  }
0x11f: {  	[tilespmem:s7+$0xC210] =	vst v0  }
.Ltmp10:
0x120: {  	[tilespmem:s7+$0xC220] =	vst v0;
	(pc) =	sbr.rel @p0 .LBB2_16-.Ltmp10, $4  }
0x121: {  	[tilespmem:s7+$0xC230] =	vst v0  }
0x122: {  	[tilespmem:s7+$0xC240] =	vst v0  }
0x123: {  	[tilespmem:s7+$0xC250] =	vst v0  }
0x124: {  	[tilespmem:s7+$0xC260] =	vst v0;
	s7 =	sshra.s32 s8, $0x2;
	s8 =	sadd.s32 $0x200, s8  }
.Ltmp11:
0x125: {  	_ = 	snop;
	(pc) =	sbr.rel .LBB2_17-.Ltmp11, $1  }
0x126: {  	_ =	sdelay $0x3  }
.LBB2_19:
0x127: {  	_ =	sfence.sel $0x180000  }
0x128: {  	[bflag:$0x0] =	sbarrier.arrive $0xFFFF  }
0x129: {  	_ =	strace $0x90000047  }
0x12a: {  	s0 =	stileid.u32;
	[bflag:$0x2] =	sbarrier.arrive $0xFFFF  }
0x12b: {  	p0 =	sne.s32 s0, $0x0;
	s0 =	rddreg [dreg:$0x6]  }
0x12c: {  	s0 =	sadd.s32 @!p0 $0x100000, s0  }
0x12d: {  	[sflag:s0] =	ssyncadd.tile.s32 @!p0 $0x1;
	_ =	shalt  }
.Lfunc_end2:
_tile_overlayer_lowered:
.L_overlay_start_2:
0x12e: {  	(tag) =	ssettag $0x2  }
0x12f: {  	s0 =	rddreg [dreg:$0x0];
	s2 =	stileid.u32  }
0x130: {  	s1 =	rddreg [dreg:$0x1];
	p0 =	sne.s32 s2, $0x0  }
0x131: {  	s3 =	rddreg [dreg:$0x2];
	[bflag:$0x3] =	sbarrier.arrive $0xFFFF;
	s2 =	simm.s32 @!p0 $0x1C07  }
0x132: {  	[timem:s3], [sflag:s2] =	dma.local @!p0 [hbm:s0], s1  }
0x133: {  	s0 =	simm.s32 @!p0 $0x7  }
0x134: {  	_ =	swait.ge @!p0 [sflag:s0], s1  }
0x135: {  	s1 =	ssub.s32 @!p0 $0x0, s1;
	[sflag:s0] =	ssyncset.done @!p0 $0x0  }
0x136: {  	[sflag:s0] =	ssyncadd.s32 @!p0 s1  }
0x137: {  	[bflag:$0x3] =	sbarrier.arrive $0xFFFF  }
0x138: {  	_ =	shalt  }

</sc_bundles>
